<compile_context>
chip_gen: v7x
topology: tpu7x:2x2x1
jax: 0.10.2.dev20260603
libtpu: 0.0.44.dev20260713+nightly
codegen_flags: <defaults>
</compile_context>

<pallas_src>
import functools

import jax
import jax.numpy as jnp
from jax import lax
from jax.experimental import pallas as pl
from jax.experimental.pallas import tpu as pltpu
from jax.experimental.pallas import tpu_sc as plsc

B = 1024
S = 26
C = 1000
ROW = S * C
LANES = 16

_info = plsc.get_sparse_core_info()
NW = _info.num_cores * _info.num_subcores
ROWS_PER_W = B // NW
CHUNK = 2
NBUF = 2
NCHUNK = ROWS_PER_W // CHUNK

ZF_UNROLL = 13
ZF_ITERS = ROW // LANES // ZF_UNROLL

_mesh = plsc.VectorSubcoreMesh(core_axis_name="c", subcore_axis_name="s")


@functools.partial(
    pl.kernel,
    mesh=_mesh,
    out_type=jax.ShapeDtypeStruct((B, ROW), jnp.float32),
    compiler_params=pltpu.CompilerParams(needs_layout_passes=False),
    scratch_types=[
        pltpu.VMEM((ROWS_PER_W, S), jnp.int32),
        pltpu.VMEM((CHUNK, ROW), jnp.float32),
        pltpu.VMEM((CHUNK, ROW), jnp.float32),
        pltpu.SemaphoreType.DMA,
        pltpu.SemaphoreType.DMA,
    ],
)
def _onehot_sc(batch_hbm, out_hbm, idx_v, buf0, buf1, sem0, sem1):
    wid = lax.axis_index("s") * _info.num_cores + lax.axis_index("c")
    base = wid * ROWS_PER_W
    pltpu.sync_copy(batch_hbm.at[pl.ds(base, ROWS_PER_W)], idx_v)

    zeros_f = jnp.zeros((LANES,), jnp.float32)
    ones_f = jnp.ones((LANES,), jnp.float32)
    iota = lax.iota(jnp.int32, LANES)
    off_lo = iota * C
    off_hi = (iota + (S - LANES)) * C
    row_sel = [jnp.full((LANES,), j, jnp.int32) for j in range(CHUNK)]

    def zfill(i, carry):
        for j in range(CHUNK):
            for u in range(ZF_UNROLL):
                o = (i * ZF_UNROLL + u) * LANES
                buf0[j, pl.ds(o, LANES)] = zeros_f
                buf1[j, pl.ds(o, LANES)] = zeros_f
        return carry

    lax.fori_loop(0, ZF_ITERS, zfill, 0)

    bufs = (buf0, buf1)
    sems = (sem0, sem1)
    prev_pos = [None] * NBUF
    copies = [None] * NBUF
    for c in range(NCHUNK):
        k = c % NBUF
        buf, sem = bufs[k], sems[k]
        if copies[k] is not None:
            copies[k].wait()
            for j in range(CHUNK):
                p_lo, p_hi = prev_pos[k][j]
                plsc.store_scatter(buf, [row_sel[j], p_lo], zeros_f)
                plsc.store_scatter(buf, [row_sel[j], p_hi], zeros_f)
        pos = []
        for j in range(CHUNK):
            r = c * CHUNK + j
            p_lo = idx_v[r, pl.ds(0, LANES)] + off_lo
            p_hi = idx_v[r, pl.ds(S - LANES, LANES)] + off_hi
            plsc.store_scatter(buf, [row_sel[j], p_lo], ones_f)
            plsc.store_scatter(buf, [row_sel[j], p_hi], ones_f)
            pos.append((p_lo, p_hi))
        copies[k] = pltpu.async_copy(
            buf, out_hbm.at[pl.ds(base + c * CHUNK, CHUNK)], sem
        )
        prev_pos[k] = pos
    for k in range(NBUF):
        if copies[k] is not None:
            copies[k].wait()


def kernel(batch, lookup):
    del lookup
    return _onehot_sc(jnp.asarray(batch, jnp.int32))

# --- scband reference (transcript-rebuilt; emitter-appended) ---
"""Pipeline reference for scband-one-hot-encoding-layer-36498632082163 (READ-ONLY COPY).

The authoritative reference and input builder live on the scoring server;
editing this copy changes nothing except your own understanding.
"""

import jax, jax.numpy as jnp
import numpy as np

SIZE = 26
CARDINALITY = 1000

def setup_inputs(seed: int = 0) -> dict:
    key = jax.random.key(seed)
    k1, _ = jax.random.split(key)
    batch = jax.random.randint(k1, (1024, SIZE), 0, CARDINALITY, dtype=jnp.int64 if jax.config.jax_enable_x64 else jnp.int32)
    lookup = jnp.eye(CARDINALITY, dtype=jnp.float32)
    return {"batch": batch, "lookup": lookup}

def reference(batch, lookup):
    # Faithful translation of OneHotEncodingLayer.forward:
    # torch.index_select(self.lookup, 0, batch.flatten()).view(len(batch), size*cardinality)
    B = batch.shape[0]
    gathered = jnp.take(lookup, batch.reshape(-1), axis=0)
    return gathered.reshape(B, SIZE * CARDINALITY)

if __name__ == "__main__":
    import jax
    _d = setup_inputs()
    print(jax.jit(kernel)(*tuple(_d.values())))

</pallas_src>

<mosaic_0001>
#map = affine_map<(d0, d1) -> (0, 0)>
module attributes {stable_mosaic.version = 14 : i64} {
  func.func @_onehot_sc(%arg0: i32, %arg1: i32, %arg2: memref<1024x26xi32, #tpu.memory_space<hbm>>, %arg3: memref<1024x26000xf32, #tpu.memory_space<hbm>>, %arg4: memref<32x26xi32, #tpu.memory_space<vmem>>, %arg5: memref<2x26000xf32, #tpu.memory_space<vmem>>, %arg6: memref<2x26000xf32, #tpu.memory_space<vmem>>, %arg7: memref<!tpu.dma_semaphore, #tpu.memory_space<semaphore_mem>>, %arg8: memref<!tpu.dma_semaphore, #tpu.memory_space<semaphore_mem>>) attributes {dimension_semantics = [#tpu.dimension_semantics<core_parallel>, #tpu.dimension_semantics<subcore_parallel>], iteration_bounds = array<i64: 2, 16>, scalar_prefetch = 0 : i64, scratch_operands = 5 : i64, tpu.core_type = #tpu.core_type<sc_vector_subcore>, window_params = [{transform_indices = #map}, {transform_indices = #map}]} {
    %mul3A = arith.constant 2 : i32
    %mul3A_0 = arith.muli %arg1, %mul3A : i32
    %add3A = arith.addi %mul3A_0, %arg0 : i32
    %mul3A_1 = arith.constant 32 : i32
    %mul3A_2 = arith.muli %add3A, %mul3A_1 : i32
    "tpu.region"() ({
      %run_scoped3A = tpu.sem_alloc : memref<!tpu.dma_semaphore, #tpu.memory_space<semaphore_mem>>
      %dma_start3A_501 = arith.constant 0 : i32
      %dma_start3A_502 = tpu.memref_slice %arg2[%mul3A_2, %dma_start3A_501] : memref<1024x26xi32, #tpu.memory_space<hbm>> -> memref<32x26xi32, #tpu.memory_space<hbm>>
      %dma_start3A_503 = arith.constant 0 : i32
      %dma_start3A_504 = tpu.memref_slice %arg2[%mul3A_2, %dma_start3A_503] : memref<1024x26xi32, #tpu.memory_space<hbm>> -> memref<32x26xi32, #tpu.memory_space<hbm>>
      tpu.enqueue_dma source(%dma_start3A_504 : memref<32x26xi32, #tpu.memory_space<hbm>>) target(%arg4 : memref<32x26xi32, #tpu.memory_space<vmem>>) target_semaphore(%run_scoped3A : memref<!tpu.dma_semaphore, #tpu.memory_space<semaphore_mem>>)
      %dma_wait3A_505 = arith.constant 0 : i32
      %dma_wait3A_506 = tpu.memref_slice %arg2[%mul3A_2, %dma_wait3A_505] : memref<1024x26xi32, #tpu.memory_space<hbm>> -> memref<32x26xi32, #tpu.memory_space<hbm>>
      %dma_wait3A_507 = arith.constant 0 : i32
      %dma_wait3A_508 = tpu.memref_slice %arg2[%mul3A_2, %dma_wait3A_507] : memref<1024x26xi32, #tpu.memory_space<hbm>> -> memref<32x26xi32, #tpu.memory_space<hbm>>
      tpu.wait_dma2 semaphore(%run_scoped3A : memref<!tpu.dma_semaphore, #tpu.memory_space<semaphore_mem>>) src(%dma_wait3A_508 : memref<32x26xi32, #tpu.memory_space<hbm>>) dst(%arg4 : memref<32x26xi32, #tpu.memory_space<vmem>>)
      tpu.yield
    }) : () -> ()
    %broadcast_in_dim3A = arith.constant 0.000000e+00 : f32
    %broadcast_in_dim3A_3 = vector.broadcast %broadcast_in_dim3A : f32 to vector<16xf32>
    %broadcast_in_dim3A_4 = arith.constant 1.000000e+00 : f32
    %broadcast_in_dim3A_5 = vector.broadcast %broadcast_in_dim3A_4 : f32 to vector<16xf32>
    %iota3A = tpu.iota {dimensions = array<i32: 0>} : vector<16xi32>
    %mul3A_6 = arith.constant 1000 : i32
    %mul3A_7 = vector.broadcast %mul3A_6 : i32 to vector<16xi32>
    %mul3A_8 = arith.muli %iota3A, %mul3A_7 : vector<16xi32>
    %add3A_9 = arith.constant 10 : i32
    %add3A_10 = vector.broadcast %add3A_9 : i32 to vector<16xi32>
    %add3A_11 = arith.addi %iota3A, %add3A_10 : vector<16xi32>
    %mul3A_12 = arith.constant 1000 : i32
    %mul3A_13 = vector.broadcast %mul3A_12 : i32 to vector<16xi32>
    %mul3A_14 = arith.muli %add3A_11, %mul3A_13 : vector<16xi32>
    %broadcast_in_dim3A_15 = arith.constant 0 : i32
    %broadcast_in_dim3A_16 = vector.broadcast %broadcast_in_dim3A_15 : i32 to vector<16xi32>
    %broadcast_in_dim3A_17 = arith.constant 1 : i32
    %broadcast_in_dim3A_18 = vector.broadcast %broadcast_in_dim3A_17 : i32 to vector<16xi32>
    %scan3A = arith.constant 0 : i32
    %scan3A_19 = arith.constant 0 : i32
    %scan3A_20 = arith.constant 125 : i32
    %scan3A_21 = arith.addi %scan3A_19, %scan3A_20 : i32
    %scan3A_22 = arith.constant 1 : i32
    scf.for %scan3A_501 = %scan3A_19 to %scan3A_21 step %scan3A_22  : i32 {
      %mul3A_502 = arith.constant 13 : i32
      %mul3A_503 = arith.muli %scan3A_501, %mul3A_502 : i32
      %add3A_504 = arith.constant 0 : i32
      %add3A_505 = arith.addi %mul3A_503, %add3A_504 : i32
      %mul3A_506 = arith.constant 16 : i32
      %mul3A_507 = arith.muli %add3A_505, %mul3A_506 : i32
      %swap3A = arith.constant 0 : i32
      %swap3A_508 = arith.index_cast %swap3A : i32 to index
      %swap3A_509 = arith.index_cast %mul3A_507 : i32 to index
      %swap3A_510 = tpu.vector_load %arg5[%swap3A_508, %swap3A_509] {strides = array<i32>} : memref<2x26000xf32, #tpu.memory_space<vmem>>, vector<16xf32>,
      tpu.vector_store %arg5[%swap3A_508, %swap3A_509], %broadcast_in_dim3A_3 {strides = array<i32>} : memref<2x26000xf32, #tpu.memory_space<vmem>>, vector<16xf32>,
      %swap3A_511 = arith.constant 0 : i32
      %swap3A_512 = arith.index_cast %swap3A_511 : i32 to index
      %swap3A_513 = arith.index_cast %mul3A_507 : i32 to index
      %swap3A_514 = tpu.vector_load %arg6[%swap3A_512, %swap3A_513] {strides = array<i32>} : memref<2x26000xf32, #tpu.memory_space<vmem>>, vector<16xf32>,
      tpu.vector_store %arg6[%swap3A_512, %swap3A_513], %broadcast_in_dim3A_3 {strides = array<i32>} : memref<2x26000xf32, #tpu.memory_space<vmem>>, vector<16xf32>,
      %mul3A_515 = arith.constant 13 : i32
      %mul3A_516 = arith.muli %scan3A_501, %mul3A_515 : i32
      %add3A_517 = arith.constant 1 : i32
      %add3A_518 = arith.addi %mul3A_516, %add3A_517 : i32
      %mul3A_519 = arith.constant 16 : i32
      %mul3A_520 = arith.muli %add3A_518, %mul3A_519 : i32
      %swap3A_521 = arith.constant 0 : i32
      %swap3A_522 = arith.index_cast %swap3A_521 : i32 to index
      %swap3A_523 = arith.index_cast %mul3A_520 : i32 to index
      %swap3A_524 = tpu.vector_load %arg5[%swap3A_522, %swap3A_523] {strides = array<i32>} : memref<2x26000xf32, #tpu.memory_space<vmem>>, vector<16xf32>,
      tpu.vector_store %arg5[%swap3A_522, %swap3A_523], %broadcast_in_dim3A_3 {strides = array<i32>} : memref<2x26000xf32, #tpu.memory_space<vmem>>, vector<16xf32>,
      %swap3A_525 = arith.constant 0 : i32
      %swap3A_526 = arith.index_cast %swap3A_525 : i32 to index
      %swap3A_527 = arith.index_cast %mul3A_520 : i32 to index
      %swap3A_528 = tpu.vector_load %arg6[%swap3A_526, %swap3A_527] {strides = array<i32>} : memref<2x26000xf32, #tpu.memory_space<vmem>>, vector<16xf32>,
      tpu.vector_store %arg6[%swap3A_526, %swap3A_527], %broadcast_in_dim3A_3 {strides = array<i32>} : memref<2x26000xf32, #tpu.memory_space<vmem>>, vector<16xf32>,
      %mul3A_529 = arith.constant 13 : i32
      %mul3A_530 = arith.muli %scan3A_501, %mul3A_529 : i32
      %add3A_531 = arith.constant 2 : i32
      %add3A_532 = arith.addi %mul3A_530, %add3A_531 : i32
      %mul3A_533 = arith.constant 16 : i32
      %mul3A_534 = arith.muli %add3A_532, %mul3A_533 : i32
      %swap3A_535 = arith.constant 0 : i32
      %swap3A_536 = arith.index_cast %swap3A_535 : i32 to index
      %swap3A_537 = arith.index_cast %mul3A_534 : i32 to index
      %swap3A_538 = tpu.vector_load %arg5[%swap3A_536, %swap3A_537] {strides = array<i32>} : memref<2x26000xf32, #tpu.memory_space<vmem>>, vector<16xf32>,
      tpu.vector_store %arg5[%swap3A_536, %swap3A_537], %broadcast_in_dim3A_3 {strides = array<i32>} : memref<2x26000xf32, #tpu.memory_space<vmem>>, vector<16xf32>,
      %swap3A_539 = arith.constant 0 : i32
      %swap3A_540 = arith.index_cast %swap3A_539 : i32 to index
      %swap3A_541 = arith.index_cast %mul3A_534 : i32 to index
      %swap3A_542 = tpu.vector_load %arg6[%swap3A_540, %swap3A_541] {strides = array<i32>} : memref<2x26000xf32, #tpu.memory_space<vmem>>, vector<16xf32>,
      tpu.vector_store %arg6[%swap3A_540, %swap3A_541], %broadcast_in_dim3A_3 {strides = array<i32>} : memref<2x26000xf32, #tpu.memory_space<vmem>>, vector<16xf32>,
      %mul3A_543 = arith.constant 13 : i32
      %mul3A_544 = arith.muli %scan3A_501, %mul3A_543 : i32
      %add3A_545 = arith.constant 3 : i32
      %add3A_546 = arith.addi %mul3A_544, %add3A_545 : i32
      %mul3A_547 = arith.constant 16 : i32
      %mul3A_548 = arith.muli %add3A_546, %mul3A_547 : i32
      %swap3A_549 = arith.constant 0 : i32
      %swap3A_550 = arith.index_cast %swap3A_549 : i32 to index
      %swap3A_551 = arith.index_cast %mul3A_548 : i32 to index
      %swap3A_552 = tpu.vector_load %arg5[%swap3A_550, %swap3A_551] {strides = array<i32>} : memref<2x26000xf32, #tpu.memory_space<vmem>>, vector<16xf32>,
      tpu.vector_store %arg5[%swap3A_550, %swap3A_551], %broadcast_in_dim3A_3 {strides = array<i32>} : memref<2x26000xf32, #tpu.memory_space<vmem>>, vector<16xf32>,
      %swap3A_553 = arith.constant 0 : i32
      %swap3A_554 = arith.index_cast %swap3A_553 : i32 to index
      %swap3A_555 = arith.index_cast %mul3A_548 : i32 to index
      %swap3A_556 = tpu.vector_load %arg6[%swap3A_554, %swap3A_555] {strides = array<i32>} : memref<2x26000xf32, #tpu.memory_space<vmem>>, vector<16xf32>,
      tpu.vector_store %arg6[%swap3A_554, %swap3A_555], %broadcast_in_dim3A_3 {strides = array<i32>} : memref<2x26000xf32, #tpu.memory_space<vmem>>, vector<16xf32>,
      %mul3A_557 = arith.constant 13 : i32
      %mul3A_558 = arith.muli %scan3A_501, %mul3A_557 : i32
      %add3A_559 = arith.constant 4 : i32
      %add3A_560 = arith.addi %mul3A_558, %add3A_559 : i32
      %mul3A_561 = arith.constant 16 : i32
      %mul3A_562 = arith.muli %add3A_560, %mul3A_561 : i32
      %swap3A_563 = arith.constant 0 : i32
      %swap3A_564 = arith.index_cast %swap3A_563 : i32 to index
      %swap3A_565 = arith.index_cast %mul3A_562 : i32 to index
      %swap3A_566 = tpu.vector_load %arg5[%swap3A_564, %swap3A_565] {strides = array<i32>} : memref<2x26000xf32, #tpu.memory_space<vmem>>, vector<16xf32>,
      tpu.vector_store %arg5[%swap3A_564, %swap3A_565], %broadcast_in_dim3A_3 {strides = array<i32>} : memref<2x26000xf32, #tpu.memory_space<vmem>>, vector<16xf32>,
      %swap3A_567 = arith.constant 0 : i32
      %swap3A_568 = arith.index_cast %swap3A_567 : i32 to index
      %swap3A_569 = arith.index_cast %mul3A_562 : i32 to index
      %swap3A_570 = tpu.vector_load %arg6[%swap3A_568, %swap3A_569] {strides = array<i32>} : memref<2x26000xf32, #tpu.memory_space<vmem>>, vector<16xf32>,
      tpu.vector_store %arg6[%swap3A_568, %swap3A_569], %broadcast_in_dim3A_3 {strides = array<i32>} : memref<2x26000xf32, #tpu.memory_space<vmem>>, vector<16xf32>,
      %mul3A_571 = arith.constant 13 : i32
      %mul3A_572 = arith.muli %scan3A_501, %mul3A_571 : i32
      %add3A_573 = arith.constant 5 : i32
      %add3A_574 = arith.addi %mul3A_572, %add3A_573 : i32
      %mul3A_575 = arith.constant 16 : i32
      %mul3A_576 = arith.muli %add3A_574, %mul3A_575 : i32
      %swap3A_577 = arith.constant 0 : i32
      %swap3A_578 = arith.index_cast %swap3A_577 : i32 to index
      %swap3A_579 = arith.index_cast %mul3A_576 : i32 to index
      %swap3A_580 = tpu.vector_load %arg5[%swap3A_578, %swap3A_579] {strides = array<i32>} : memref<2x26000xf32, #tpu.memory_space<vmem>>, vector<16xf32>,
      tpu.vector_store %arg5[%swap3A_578, %swap3A_579], %broadcast_in_dim3A_3 {strides = array<i32>} : memref<2x26000xf32, #tpu.memory_space<vmem>>, vector<16xf32>,
      %swap3A_581 = arith.constant 0 : i32
      %swap3A_582 = arith.index_cast %swap3A_581 : i32 to index
      %swap3A_583 = arith.index_cast %mul3A_576 : i32 to index
      %swap3A_584 = tpu.vector_load %arg6[%swap3A_582, %swap3A_583] {strides = array<i32>} : memref<2x26000xf32, #tpu.memory_space<vmem>>, vector<16xf32>,
      tpu.vector_store %arg6[%swap3A_582, %swap3A_583], %broadcast_in_dim3A_3 {strides = array<i32>} : memref<2x26000xf32, #tpu.memory_space<vmem>>, vector<16xf32>,
      %mul3A_585 = arith.constant 13 : i32
      %mul3A_586 = arith.muli %scan3A_501, %mul3A_585 : i32
      %add3A_587 = arith.constant 6 : i32
      %add3A_588 = arith.addi %mul3A_586, %add3A_587 : i32
      %mul3A_589 = arith.constant 16 : i32
      %mul3A_590 = arith.muli %add3A_588, %mul3A_589 : i32
      %swap3A_591 = arith.constant 0 : i32
      %swap3A_592 = arith.index_cast %swap3A_591 : i32 to index
      %swap3A_593 = arith.index_cast %mul3A_590 : i32 to index
      %swap3A_594 = tpu.vector_load %arg5[%swap3A_592, %swap3A_593] {strides = array<i32>} : memref<2x26000xf32, #tpu.memory_space<vmem>>, vector<16xf32>,
      tpu.vector_store %arg5[%swap3A_592, %swap3A_593], %broadcast_in_dim3A_3 {strides = array<i32>} : memref<2x26000xf32, #tpu.memory_space<vmem>>, vector<16xf32>,
      %swap3A_595 = arith.constant 0 : i32
      %swap3A_596 = arith.index_cast %swap3A_595 : i32 to index
      %swap3A_597 = arith.index_cast %mul3A_590 : i32 to index
      %swap3A_598 = tpu.vector_load %arg6[%swap3A_596, %swap3A_597] {strides = array<i32>} : memref<2x26000xf32, #tpu.memory_space<vmem>>, vector<16xf32>,
      tpu.vector_store %arg6[%swap3A_596, %swap3A_597], %broadcast_in_dim3A_3 {strides = array<i32>} : memref<2x26000xf32, #tpu.memory_space<vmem>>, vector<16xf32>,
      %mul3A_599 = arith.constant 13 : i32
      %mul3A_600 = arith.muli %scan3A_501, %mul3A_599 : i32
      %add3A_601 = arith.constant 7 : i32
      %add3A_602 = arith.addi %mul3A_600, %add3A_601 : i32
      %mul3A_603 = arith.constant 16 : i32
      %mul3A_604 = arith.muli %add3A_602, %mul3A_603 : i32
      %swap3A_605 = arith.constant 0 : i32
      %swap3A_606 = arith.index_cast %swap3A_605 : i32 to index
      %swap3A_607 = arith.index_cast %mul3A_604 : i32 to index
      %swap3A_608 = tpu.vector_load %arg5[%swap3A_606, %swap3A_607] {strides = array<i32>} : memref<2x26000xf32, #tpu.memory_space<vmem>>, vector<16xf32>,
      tpu.vector_store %arg5[%swap3A_606, %swap3A_607], %broadcast_in_dim3A_3 {strides = array<i32>} : memref<2x26000xf32, #tpu.memory_space<vmem>>, vector<16xf32>,
      %swap3A_609 = arith.constant 0 : i32
      %swap3A_610 = arith.index_cast %swap3A_609 : i32 to index
      %swap3A_611 = arith.index_cast %mul3A_604 : i32 to index
      %swap3A_612 = tpu.vector_load %arg6[%swap3A_610, %swap3A_611] {strides = array<i32>} : memref<2x26000xf32, #tpu.memory_space<vmem>>, vector<16xf32>,
      tpu.vector_store %arg6[%swap3A_610, %swap3A_611], %broadcast_in_dim3A_3 {strides = array<i32>} : memref<2x26000xf32, #tpu.memory_space<vmem>>, vector<16xf32>,
      %mul3A_613 = arith.constant 13 : i32
      %mul3A_614 = arith.muli %scan3A_501, %mul3A_613 : i32
      %add3A_615 = arith.constant 8 : i32
      %add3A_616 = arith.addi %mul3A_614, %add3A_615 : i32
      %mul3A_617 = arith.constant 16 : i32
      %mul3A_618 = arith.muli %add3A_616, %mul3A_617 : i32
      %swap3A_619 = arith.constant 0 : i32
      %swap3A_620 = arith.index_cast %swap3A_619 : i32 to index
      %swap3A_621 = arith.index_cast %mul3A_618 : i32 to index
      %swap3A_622 = tpu.vector_load %arg5[%swap3A_620, %swap3A_621] {strides = array<i32>} : memref<2x26000xf32, #tpu.memory_space<vmem>>, vector<16xf32>,
      tpu.vector_store %arg5[%swap3A_620, %swap3A_621], %broadcast_in_dim3A_3 {strides = array<i32>} : memref<2x26000xf32, #tpu.memory_space<vmem>>, vector<16xf32>,
      %swap3A_623 = arith.constant 0 : i32
      %swap3A_624 = arith.index_cast %swap3A_623 : i32 to index
      %swap3A_625 = arith.index_cast %mul3A_618 : i32 to index
      %swap3A_626 = tpu.vector_load %arg6[%swap3A_624, %swap3A_625] {strides = array<i32>} : memref<2x26000xf32, #tpu.memory_space<vmem>>, vector<16xf32>,
      tpu.vector_store %arg6[%swap3A_624, %swap3A_625], %broadcast_in_dim3A_3 {strides = array<i32>} : memref<2x26000xf32, #tpu.memory_space<vmem>>, vector<16xf32>,
      %mul3A_627 = arith.constant 13 : i32
      %mul3A_628 = arith.muli %scan3A_501, %mul3A_627 : i32
      %add3A_629 = arith.constant 9 : i32
      %add3A_630 = arith.addi %mul3A_628, %add3A_629 : i32
      %mul3A_631 = arith.constant 16 : i32
      %mul3A_632 = arith.muli %add3A_630, %mul3A_631 : i32
      %swap3A_633 = arith.constant 0 : i32
      %swap3A_634 = arith.index_cast %swap3A_633 : i32 to index
      %swap3A_635 = arith.index_cast %mul3A_632 : i32 to index
      %swap3A_636 = tpu.vector_load %arg5[%swap3A_634, %swap3A_635] {strides = array<i32>} : memref<2x26000xf32, #tpu.memory_space<vmem>>, vector<16xf32>,
      tpu.vector_store %arg5[%swap3A_634, %swap3A_635], %broadcast_in_dim3A_3 {strides = array<i32>} : memref<2x26000xf32, #tpu.memory_space<vmem>>, vector<16xf32>,
      %swap3A_637 = arith.constant 0 : i32
      %swap3A_638 = arith.index_cast %swap3A_637 : i32 to index
      %swap3A_639 = arith.index_cast %mul3A_632 : i32 to index
      %swap3A_640 = tpu.vector_load %arg6[%swap3A_638, %swap3A_639] {strides = array<i32>} : memref<2x26000xf32, #tpu.memory_space<vmem>>, vector<16xf32>,
      tpu.vector_store %arg6[%swap3A_638, %swap3A_639], %broadcast_in_dim3A_3 {strides = array<i32>} : memref<2x26000xf32, #tpu.memory_space<vmem>>, vector<16xf32>,
      %mul3A_641 = arith.constant 13 : i32
      %mul3A_642 = arith.muli %scan3A_501, %mul3A_641 : i32
      %add3A_643 = arith.constant 10 : i32
      %add3A_644 = arith.addi %mul3A_642, %add3A_643 : i32
      %mul3A_645 = arith.constant 16 : i32
      %mul3A_646 = arith.muli %add3A_644, %mul3A_645 : i32
      %swap3A_647 = arith.constant 0 : i32
      %swap3A_648 = arith.index_cast %swap3A_647 : i32 to index
      %swap3A_649 = arith.index_cast %mul3A_646 : i32 to index
      %swap3A_650 = tpu.vector_load %arg5[%swap3A_648, %swap3A_649] {strides = array<i32>} : memref<2x26000xf32, #tpu.memory_space<vmem>>, vector<16xf32>,
      tpu.vector_store %arg5[%swap3A_648, %swap3A_649], %broadcast_in_dim3A_3 {strides = array<i32>} : memref<2x26000xf32, #tpu.memory_space<vmem>>, vector<16xf32>,
      %swap3A_651 = arith.constant 0 : i32
      %swap3A_652 = arith.index_cast %swap3A_651 : i32 to index
      %swap3A_653 = arith.index_cast %mul3A_646 : i32 to index
      %swap3A_654 = tpu.vector_load %arg6[%swap3A_652, %swap3A_653] {strides = array<i32>} : memref<2x26000xf32, #tpu.memory_space<vmem>>, vector<16xf32>,
      tpu.vector_store %arg6[%swap3A_652, %swap3A_653], %broadcast_in_dim3A_3 {strides = array<i32>} : memref<2x26000xf32, #tpu.memory_space<vmem>>, vector<16xf32>,
      %mul3A_655 = arith.constant 13 : i32
      %mul3A_656 = arith.muli %scan3A_501, %mul3A_655 : i32
      %add3A_657 = arith.constant 11 : i32
      %add3A_658 = arith.addi %mul3A_656, %add3A_657 : i32
      %mul3A_659 = arith.constant 16 : i32
      %mul3A_660 = arith.muli %add3A_658, %mul3A_659 : i32
      %swap3A_661 = arith.constant 0 : i32
      %swap3A_662 = arith.index_cast %swap3A_661 : i32 to index
      %swap3A_663 = arith.index_cast %mul3A_660 : i32 to index
      %swap3A_664 = tpu.vector_load %arg5[%swap3A_662, %swap3A_663] {strides = array<i32>} : memref<2x26000xf32, #tpu.memory_space<vmem>>, vector<16xf32>,
      tpu.vector_store %arg5[%swap3A_662, %swap3A_663], %broadcast_in_dim3A_3 {strides = array<i32>} : memref<2x26000xf32, #tpu.memory_space<vmem>>, vector<16xf32>,
      %swap3A_665 = arith.constant 0 : i32
      %swap3A_666 = arith.index_cast %swap3A_665 : i32 to index
      %swap3A_667 = arith.index_cast %mul3A_660 : i32 to index
      %swap3A_668 = tpu.vector_load %arg6[%swap3A_666, %swap3A_667] {strides = array<i32>} : memref<2x26000xf32, #tpu.memory_space<vmem>>, vector<16xf32>,
      tpu.vector_store %arg6[%swap3A_666, %swap3A_667], %broadcast_in_dim3A_3 {strides = array<i32>} : memref<2x26000xf32, #tpu.memory_space<vmem>>, vector<16xf32>,
      %mul3A_669 = arith.constant 13 : i32
      %mul3A_670 = arith.muli %scan3A_501, %mul3A_669 : i32
      %add3A_671 = arith.constant 12 : i32
      %add3A_672 = arith.addi %mul3A_670, %add3A_671 : i32
      %mul3A_673 = arith.constant 16 : i32
      %mul3A_674 = arith.muli %add3A_672, %mul3A_673 : i32
      %swap3A_675 = arith.constant 0 : i32
      %swap3A_676 = arith.index_cast %swap3A_675 : i32 to index
      %swap3A_677 = arith.index_cast %mul3A_674 : i32 to index
      %swap3A_678 = tpu.vector_load %arg5[%swap3A_676, %swap3A_677] {strides = array<i32>} : memref<2x26000xf32, #tpu.memory_space<vmem>>, vector<16xf32>,
      tpu.vector_store %arg5[%swap3A_676, %swap3A_677], %broadcast_in_dim3A_3 {strides = array<i32>} : memref<2x26000xf32, #tpu.memory_space<vmem>>, vector<16xf32>,
      %swap3A_679 = arith.constant 0 : i32
      %swap3A_680 = arith.index_cast %swap3A_679 : i32 to index
      %swap3A_681 = arith.index_cast %mul3A_674 : i32 to index
      %swap3A_682 = tpu.vector_load %arg6[%swap3A_680, %swap3A_681] {strides = array<i32>} : memref<2x26000xf32, #tpu.memory_space<vmem>>, vector<16xf32>,
      tpu.vector_store %arg6[%swap3A_680, %swap3A_681], %broadcast_in_dim3A_3 {strides = array<i32>} : memref<2x26000xf32, #tpu.memory_space<vmem>>, vector<16xf32>,
      %mul3A_683 = arith.constant 13 : i32
      %mul3A_684 = arith.muli %scan3A_501, %mul3A_683 : i32
      %add3A_685 = arith.constant 0 : i32
      %add3A_686 = arith.addi %mul3A_684, %add3A_685 : i32
      %mul3A_687 = arith.constant 16 : i32
      %mul3A_688 = arith.muli %add3A_686, %mul3A_687 : i32
      %swap3A_689 = arith.constant 1 : i32
      %swap3A_690 = arith.index_cast %swap3A_689 : i32 to index
      %swap3A_691 = arith.index_cast %mul3A_688 : i32 to index
      %swap3A_692 = tpu.vector_load %arg5[%swap3A_690, %swap3A_691] {strides = array<i32>} : memref<2x26000xf32, #tpu.memory_space<vmem>>, vector<16xf32>,
      tpu.vector_store %arg5[%swap3A_690, %swap3A_691], %broadcast_in_dim3A_3 {strides = array<i32>} : memref<2x26000xf32, #tpu.memory_space<vmem>>, vector<16xf32>,
      %swap3A_693 = arith.constant 1 : i32
      %swap3A_694 = arith.index_cast %swap3A_693 : i32 to index
      %swap3A_695 = arith.index_cast %mul3A_688 : i32 to index
      %swap3A_696 = tpu.vector_load %arg6[%swap3A_694, %swap3A_695] {strides = array<i32>} : memref<2x26000xf32, #tpu.memory_space<vmem>>, vector<16xf32>,
      tpu.vector_store %arg6[%swap3A_694, %swap3A_695], %broadcast_in_dim3A_3 {strides = array<i32>} : memref<2x26000xf32, #tpu.memory_space<vmem>>, vector<16xf32>,
      %mul3A_697 = arith.constant 13 : i32
      %mul3A_698 = arith.muli %scan3A_501, %mul3A_697 : i32
      %add3A_699 = arith.constant 1 : i32
      %add3A_700 = arith.addi %mul3A_698, %add3A_699 : i32
      %mul3A_701 = arith.constant 16 : i32
      %mul3A_702 = arith.muli %add3A_700, %mul3A_701 : i32
      %swap3A_703 = arith.constant 1 : i32
      %swap3A_704 = arith.index_cast %swap3A_703 : i32 to index
      %swap3A_705 = arith.index_cast %mul3A_702 : i32 to index
      %swap3A_706 = tpu.vector_load %arg5[%swap3A_704, %swap3A_705] {strides = array<i32>} : memref<2x26000xf32, #tpu.memory_space<vmem>>, vector<16xf32>,
      tpu.vector_store %arg5[%swap3A_704, %swap3A_705], %broadcast_in_dim3A_3 {strides = array<i32>} : memref<2x26000xf32, #tpu.memory_space<vmem>>, vector<16xf32>,
      %swap3A_707 = arith.constant 1 : i32
      %swap3A_708 = arith.index_cast %swap3A_707 : i32 to index
      %swap3A_709 = arith.index_cast %mul3A_702 : i32 to index
      %swap3A_710 = tpu.vector_load %arg6[%swap3A_708, %swap3A_709] {strides = array<i32>} : memref<2x26000xf32, #tpu.memory_space<vmem>>, vector<16xf32>,
      tpu.vector_store %arg6[%swap3A_708, %swap3A_709], %broadcast_in_dim3A_3 {strides = array<i32>} : memref<2x26000xf32, #tpu.memory_space<vmem>>, vector<16xf32>,
      %mul3A_711 = arith.constant 13 : i32
      %mul3A_712 = arith.muli %scan3A_501, %mul3A_711 : i32
      %add3A_713 = arith.constant 2 : i32
      %add3A_714 = arith.addi %mul3A_712, %add3A_713 : i32
      %mul3A_715 = arith.constant 16 : i32
      %mul3A_716 = arith.muli %add3A_714, %mul3A_715 : i32
      %swap3A_717 = arith.constant 1 : i32
      %swap3A_718 = arith.index_cast %swap3A_717 : i32 to index
      %swap3A_719 = arith.index_cast %mul3A_716 : i32 to index
      %swap3A_720 = tpu.vector_load %arg5[%swap3A_718, %swap3A_719] {strides = array<i32>} : memref<2x26000xf32, #tpu.memory_space<vmem>>, vector<16xf32>,
      tpu.vector_store %arg5[%swap3A_718, %swap3A_719], %broadcast_in_dim3A_3 {strides = array<i32>} : memref<2x26000xf32, #tpu.memory_space<vmem>>, vector<16xf32>,
      %swap3A_721 = arith.constant 1 : i32
      %swap3A_722 = arith.index_cast %swap3A_721 : i32 to index
      %swap3A_723 = arith.index_cast %mul3A_716 : i32 to index
      %swap3A_724 = tpu.vector_load %arg6[%swap3A_722, %swap3A_723] {strides = array<i32>} : memref<2x26000xf32, #tpu.memory_space<vmem>>, vector<16xf32>,
      tpu.vector_store %arg6[%swap3A_722, %swap3A_723], %broadcast_in_dim3A_3 {strides = array<i32>} : memref<2x26000xf32, #tpu.memory_space<vmem>>, vector<16xf32>,
      %mul3A_725 = arith.constant 13 : i32
      %mul3A_726 = arith.muli %scan3A_501, %mul3A_725 : i32
      %add3A_727 = arith.constant 3 : i32
      %add3A_728 = arith.addi %mul3A_726, %add3A_727 : i32
      %mul3A_729 = arith.constant 16 : i32
      %mul3A_730 = arith.muli %add3A_728, %mul3A_729 : i32
      %swap3A_731 = arith.constant 1 : i32
      %swap3A_732 = arith.index_cast %swap3A_731 : i32 to index
      %swap3A_733 = arith.index_cast %mul3A_730 : i32 to index
      %swap3A_734 = tpu.vector_load %arg5[%swap3A_732, %swap3A_733] {strides = array<i32>} : memref<2x26000xf32, #tpu.memory_space<vmem>>, vector<16xf32>,
      tpu.vector_store %arg5[%swap3A_732, %swap3A_733], %broadcast_in_dim3A_3 {strides = array<i32>} : memref<2x26000xf32, #tpu.memory_space<vmem>>, vector<16xf32>,
      %swap3A_735 = arith.constant 1 : i32
      %swap3A_736 = arith.index_cast %swap3A_735 : i32 to index
      %swap3A_737 = arith.index_cast %mul3A_730 : i32 to index
      %swap3A_738 = tpu.vector_load %arg6[%swap3A_736, %swap3A_737] {strides = array<i32>} : memref<2x26000xf32, #tpu.memory_space<vmem>>, vector<16xf32>,
      tpu.vector_store %arg6[%swap3A_736, %swap3A_737], %broadcast_in_dim3A_3 {strides = array<i32>} : memref<2x26000xf32, #tpu.memory_space<vmem>>, vector<16xf32>,
      %mul3A_739 = arith.constant 13 : i32
      %mul3A_740 = arith.muli %scan3A_501, %mul3A_739 : i32
      %add3A_741 = arith.constant 4 : i32
      %add3A_742 = arith.addi %mul3A_740, %add3A_741 : i32
      %mul3A_743 = arith.constant 16 : i32
      %mul3A_744 = arith.muli %add3A_742, %mul3A_743 : i32
      %swap3A_745 = arith.constant 1 : i32
      %swap3A_746 = arith.index_cast %swap3A_745 : i32 to index
      %swap3A_747 = arith.index_cast %mul3A_744 : i32 to index
      %swap3A_748 = tpu.vector_load %arg5[%swap3A_746, %swap3A_747] {strides = array<i32>} : memref<2x26000xf32, #tpu.memory_space<vmem>>, vector<16xf32>,
      tpu.vector_store %arg5[%swap3A_746, %swap3A_747], %broadcast_in_dim3A_3 {strides = array<i32>} : memref<2x26000xf32, #tpu.memory_space<vmem>>, vector<16xf32>,
      %swap3A_749 = arith.constant 1 : i32
      %swap3A_750 = arith.index_cast %swap3A_749 : i32 to index
      %swap3A_751 = arith.index_cast %mul3A_744 : i32 to index
      %swap3A_752 = tpu.vector_load %arg6[%swap3A_750, %swap3A_751] {strides = array<i32>} : memref<2x26000xf32, #tpu.memory_space<vmem>>, vector<16xf32>,
      tpu.vector_store %arg6[%swap3A_750, %swap3A_751], %broadcast_in_dim3A_3 {strides = array<i32>} : memref<2x26000xf32, #tpu.memory_space<vmem>>, vector<16xf32>,
      %mul3A_753 = arith.constant 13 : i32
      %mul3A_754 = arith.muli %scan3A_501, %mul3A_753 : i32
      %add3A_755 = arith.constant 5 : i32
      %add3A_756 = arith.addi %mul3A_754, %add3A_755 : i32
      %mul3A_757 = arith.constant 16 : i32
      %mul3A_758 = arith.muli %add3A_756, %mul3A_757 : i32
      %swap3A_759 = arith.constant 1 : i32
      %swap3A_760 = arith.index_cast %swap3A_759 : i32 to index
      %swap3A_761 = arith.index_cast %mul3A_758 : i32 to index
      %swap3A_762 = tpu.vector_load %arg5[%swap3A_760, %swap3A_761] {strides = array<i32>} : memref<2x26000xf32, #tpu.memory_space<vmem>>, vector<16xf32>,
      tpu.vector_store %arg5[%swap3A_760, %swap3A_761], %broadcast_in_dim3A_3 {strides = array<i32>} : memref<2x26000xf32, #tpu.memory_space<vmem>>, vector<16xf32>,
      %swap3A_763 = arith.constant 1 : i32
      %swap3A_764 = arith.index_cast %swap3A_763 : i32 to index
      %swap3A_765 = arith.index_cast %mul3A_758 : i32 to index
      %swap3A_766 = tpu.vector_load %arg6[%swap3A_764, %swap3A_765] {strides = array<i32>} : memref<2x26000xf32, #tpu.memory_space<vmem>>, vector<16xf32>,
      tpu.vector_store %arg6[%swap3A_764, %swap3A_765], %broadcast_in_dim3A_3 {strides = array<i32>} : memref<2x26000xf32, #tpu.memory_space<vmem>>, vector<16xf32>,
      %mul3A_767 = arith.constant 13 : i32
      %mul3A_768 = arith.muli %scan3A_501, %mul3A_767 : i32
      %add3A_769 = arith.constant 6 : i32
      %add3A_770 = arith.addi %mul3A_768, %add3A_769 : i32
      %mul3A_771 = arith.constant 16 : i32
      %mul3A_772 = arith.muli %add3A_770, %mul3A_771 : i32
      %swap3A_773 = arith.constant 1 : i32
      %swap3A_774 = arith.index_cast %swap3A_773 : i32 to index
      %swap3A_775 = arith.index_cast %mul3A_772 : i32 to index
      %swap3A_776 = tpu.vector_load %arg5[%swap3A_774, %swap3A_775] {strides = array<i32>} : memref<2x26000xf32, #tpu.memory_space<vmem>>, vector<16xf32>,
      tpu.vector_store %arg5[%swap3A_774, %swap3A_775], %broadcast_in_dim3A_3 {strides = array<i32>} : memref<2x26000xf32, #tpu.memory_space<vmem>>, vector<16xf32>,
      %swap3A_777 = arith.constant 1 : i32
      %swap3A_778 = arith.index_cast %swap3A_777 : i32 to index
      %swap3A_779 = arith.index_cast %mul3A_772 : i32 to index
      %swap3A_780 = tpu.vector_load %arg6[%swap3A_778, %swap3A_779] {strides = array<i32>} : memref<2x26000xf32, #tpu.memory_space<vmem>>, vector<16xf32>,
      tpu.vector_store %arg6[%swap3A_778, %swap3A_779], %broadcast_in_dim3A_3 {strides = array<i32>} : memref<2x26000xf32, #tpu.memory_space<vmem>>, vector<16xf32>,
      %mul3A_781 = arith.constant 13 : i32
      %mul3A_782 = arith.muli %scan3A_501, %mul3A_781 : i32
      %add3A_783 = arith.constant 7 : i32
      %add3A_784 = arith.addi %mul3A_782, %add3A_783 : i32
      %mul3A_785 = arith.constant 16 : i32
      %mul3A_786 = arith.muli %add3A_784, %mul3A_785 : i32
      %swap3A_787 = arith.constant 1 : i32
      %swap3A_788 = arith.index_cast %swap3A_787 : i32 to index
      %swap3A_789 = arith.index_cast %mul3A_786 : i32 to index
      %swap3A_790 = tpu.vector_load %arg5[%swap3A_788, %swap3A_789] {strides = array<i32>} : memref<2x26000xf32, #tpu.memory_space<vmem>>, vector<16xf32>,
      tpu.vector_store %arg5[%swap3A_788, %swap3A_789], %broadcast_in_dim3A_3 {strides = array<i32>} : memref<2x26000xf32, #tpu.memory_space<vmem>>, vector<16xf32>,
      %swap3A_791 = arith.constant 1 : i32
      %swap3A_792 = arith.index_cast %swap3A_791 : i32 to index
      %swap3A_793 = arith.index_cast %mul3A_786 : i32 to index
      %swap3A_794 = tpu.vector_load %arg6[%swap3A_792, %swap3A_793] {strides = array<i32>} : memref<2x26000xf32, #tpu.memory_space<vmem>>, vector<16xf32>,
      tpu.vector_store %arg6[%swap3A_792, %swap3A_793], %broadcast_in_dim3A_3 {strides = array<i32>} : memref<2x26000xf32, #tpu.memory_space<vmem>>, vector<16xf32>,
      %mul3A_795 = arith.constant 13 : i32
      %mul3A_796 = arith.muli %scan3A_501, %mul3A_795 : i32
      %add3A_797 = arith.constant 8 : i32
      %add3A_798 = arith.addi %mul3A_796, %add3A_797 : i32
      %mul3A_799 = arith.constant 16 : i32
      %mul3A_800 = arith.muli %add3A_798, %mul3A_799 : i32
      %swap3A_801 = arith.constant 1 : i32
      %swap3A_802 = arith.index_cast %swap3A_801 : i32 to index
      %swap3A_803 = arith.index_cast %mul3A_800 : i32 to index
      %swap3A_804 = tpu.vector_load %arg5[%swap3A_802, %swap3A_803] {strides = array<i32>} : memref<2x26000xf32, #tpu.memory_space<vmem>>, vector<16xf32>,
      tpu.vector_store %arg5[%swap3A_802, %swap3A_803], %broadcast_in_dim3A_3 {strides = array<i32>} : memref<2x26000xf32, #tpu.memory_space<vmem>>, vector<16xf32>,
      %swap3A_805 = arith.constant 1 : i32
      %swap3A_806 = arith.index_cast %swap3A_805 : i32 to index
      %swap3A_807 = arith.index_cast %mul3A_800 : i32 to index
      %swap3A_808 = tpu.vector_load %arg6[%swap3A_806, %swap3A_807] {strides = array<i32>} : memref<2x26000xf32, #tpu.memory_space<vmem>>, vector<16xf32>,
      tpu.vector_store %arg6[%swap3A_806, %swap3A_807], %broadcast_in_dim3A_3 {strides = array<i32>} : memref<2x26000xf32, #tpu.memory_space<vmem>>, vector<16xf32>,
      %mul3A_809 = arith.constant 13 : i32
      %mul3A_810 = arith.muli %scan3A_501, %mul3A_809 : i32
      %add3A_811 = arith.constant 9 : i32
      %add3A_812 = arith.addi %mul3A_810, %add3A_811 : i32
      %mul3A_813 = arith.constant 16 : i32
      %mul3A_814 = arith.muli %add3A_812, %mul3A_813 : i32
      %swap3A_815 = arith.constant 1 : i32
      %swap3A_816 = arith.index_cast %swap3A_815 : i32 to index
      %swap3A_817 = arith.index_cast %mul3A_814 : i32 to index
      %swap3A_818 = tpu.vector_load %arg5[%swap3A_816, %swap3A_817] {strides = array<i32>} : memref<2x26000xf32, #tpu.memory_space<vmem>>, vector<16xf32>,
      tpu.vector_store %arg5[%swap3A_816, %swap3A_817], %broadcast_in_dim3A_3 {strides = array<i32>} : memref<2x26000xf32, #tpu.memory_space<vmem>>, vector<16xf32>,
      %swap3A_819 = arith.constant 1 : i32
      %swap3A_820 = arith.index_cast %swap3A_819 : i32 to index
      %swap3A_821 = arith.index_cast %mul3A_814 : i32 to index
      %swap3A_822 = tpu.vector_load %arg6[%swap3A_820, %swap3A_821] {strides = array<i32>} : memref<2x26000xf32, #tpu.memory_space<vmem>>, vector<16xf32>,
      tpu.vector_store %arg6[%swap3A_820, %swap3A_821], %broadcast_in_dim3A_3 {strides = array<i32>} : memref<2x26000xf32, #tpu.memory_space<vmem>>, vector<16xf32>,
      %mul3A_823 = arith.constant 13 : i32
      %mul3A_824 = arith.muli %scan3A_501, %mul3A_823 : i32
      %add3A_825 = arith.constant 10 : i32
      %add3A_826 = arith.addi %mul3A_824, %add3A_825 : i32
      %mul3A_827 = arith.constant 16 : i32
      %mul3A_828 = arith.muli %add3A_826, %mul3A_827 : i32
      %swap3A_829 = arith.constant 1 : i32
      %swap3A_830 = arith.index_cast %swap3A_829 : i32 to index
      %swap3A_831 = arith.index_cast %mul3A_828 : i32 to index
      %swap3A_832 = tpu.vector_load %arg5[%swap3A_830, %swap3A_831] {strides = array<i32>} : memref<2x26000xf32, #tpu.memory_space<vmem>>, vector<16xf32>,
      tpu.vector_store %arg5[%swap3A_830, %swap3A_831], %broadcast_in_dim3A_3 {strides = array<i32>} : memref<2x26000xf32, #tpu.memory_space<vmem>>, vector<16xf32>,
      %swap3A_833 = arith.constant 1 : i32
      %swap3A_834 = arith.index_cast %swap3A_833 : i32 to index
      %swap3A_835 = arith.index_cast %mul3A_828 : i32 to index
      %swap3A_836 = tpu.vector_load %arg6[%swap3A_834, %swap3A_835] {strides = array<i32>} : memref<2x26000xf32, #tpu.memory_space<vmem>>, vector<16xf32>,
      tpu.vector_store %arg6[%swap3A_834, %swap3A_835], %broadcast_in_dim3A_3 {strides = array<i32>} : memref<2x26000xf32, #tpu.memory_space<vmem>>, vector<16xf32>,
      %mul3A_837 = arith.constant 13 : i32
      %mul3A_838 = arith.muli %scan3A_501, %mul3A_837 : i32
      %add3A_839 = arith.constant 11 : i32
      %add3A_840 = arith.addi %mul3A_838, %add3A_839 : i32
      %mul3A_841 = arith.constant 16 : i32
      %mul3A_842 = arith.muli %add3A_840, %mul3A_841 : i32
      %swap3A_843 = arith.constant 1 : i32
      %swap3A_844 = arith.index_cast %swap3A_843 : i32 to index
      %swap3A_845 = arith.index_cast %mul3A_842 : i32 to index
      %swap3A_846 = tpu.vector_load %arg5[%swap3A_844, %swap3A_845] {strides = array<i32>} : memref<2x26000xf32, #tpu.memory_space<vmem>>, vector<16xf32>,
      tpu.vector_store %arg5[%swap3A_844, %swap3A_845], %broadcast_in_dim3A_3 {strides = array<i32>} : memref<2x26000xf32, #tpu.memory_space<vmem>>, vector<16xf32>,
      %swap3A_847 = arith.constant 1 : i32
      %swap3A_848 = arith.index_cast %swap3A_847 : i32 to index
      %swap3A_849 = arith.index_cast %mul3A_842 : i32 to index
      %swap3A_850 = tpu.vector_load %arg6[%swap3A_848, %swap3A_849] {strides = array<i32>} : memref<2x26000xf32, #tpu.memory_space<vmem>>, vector<16xf32>,
      tpu.vector_store %arg6[%swap3A_848, %swap3A_849], %broadcast_in_dim3A_3 {strides = array<i32>} : memref<2x26000xf32, #tpu.memory_space<vmem>>, vector<16xf32>,
      %mul3A_851 = arith.constant 13 : i32
      %mul3A_852 = arith.muli %scan3A_501, %mul3A_851 : i32
      %add3A_853 = arith.constant 12 : i32
      %add3A_854 = arith.addi %mul3A_852, %add3A_853 : i32
      %mul3A_855 = arith.constant 16 : i32
      %mul3A_856 = arith.muli %add3A_854, %mul3A_855 : i32
      %swap3A_857 = arith.constant 1 : i32
      %swap3A_858 = arith.index_cast %swap3A_857 : i32 to index
      %swap3A_859 = arith.index_cast %mul3A_856 : i32 to index
      %swap3A_860 = tpu.vector_load %arg5[%swap3A_858, %swap3A_859] {strides = array<i32>} : memref<2x26000xf32, #tpu.memory_space<vmem>>, vector<16xf32>,
      tpu.vector_store %arg5[%swap3A_858, %swap3A_859], %broadcast_in_dim3A_3 {strides = array<i32>} : memref<2x26000xf32, #tpu.memory_space<vmem>>, vector<16xf32>,
      %swap3A_861 = arith.constant 1 : i32
      %swap3A_862 = arith.index_cast %swap3A_861 : i32 to index
      %swap3A_863 = arith.index_cast %mul3A_856 : i32 to index
      %swap3A_864 = tpu.vector_load %arg6[%swap3A_862, %swap3A_863] {strides = array<i32>} : memref<2x26000xf32, #tpu.memory_space<vmem>>, vector<16xf32>,
      tpu.vector_store %arg6[%swap3A_862, %swap3A_863], %broadcast_in_dim3A_3 {strides = array<i32>} : memref<2x26000xf32, #tpu.memory_space<vmem>>, vector<16xf32>,
    }
    %scan3A_23 = arith.constant 125 : i32
    %get3A = arith.constant 0 : i32
    %get3A_24 = arith.index_cast %get3A : i32 to index
    %get3A_25 = arith.constant 0 : index
    %get3A_26 = tpu.vector_load %arg4[%get3A_24, %get3A_25] {strides = array<i32>} : memref<32x26xi32, #tpu.memory_space<vmem>>, vector<16xi32>,
    %add3A_27 = arith.addi %get3A_26, %mul3A_8 : vector<16xi32>
    %get3A_28 = arith.constant 0 : i32
    %get3A_29 = arith.index_cast %get3A_28 : i32 to index
    %get3A_30 = arith.constant 10 : index
    %get3A_31 = tpu.vector_load %arg4[%get3A_29, %get3A_30] {strides = array<i32>} : memref<32x26xi32, #tpu.memory_space<vmem>>, vector<16xi32>,
    %add3A_32 = arith.addi %get3A_31, %mul3A_14 : vector<16xi32>
    tpu.vector_store_idx %arg5[%broadcast_in_dim3A_16, %add3A_27], %broadcast_in_dim3A_5 : memref<2x26000xf32, #tpu.memory_space<vmem>>[vector<16xi32>, vector<16xi32>], vector<16xf32>,
    tpu.vector_store_idx %arg5[%broadcast_in_dim3A_16, %add3A_32], %broadcast_in_dim3A_5 : memref<2x26000xf32, #tpu.memory_space<vmem>>[vector<16xi32>, vector<16xi32>], vector<16xf32>,
    %get3A_33 = arith.constant 1 : i32
    %get3A_34 = arith.index_cast %get3A_33 : i32 to index
    %get3A_35 = arith.constant 0 : index
    %get3A_36 = tpu.vector_load %arg4[%get3A_34, %get3A_35] {strides = array<i32>} : memref<32x26xi32, #tpu.memory_space<vmem>>, vector<16xi32>,
    %add3A_37 = arith.addi %get3A_36, %mul3A_8 : vector<16xi32>
    %get3A_38 = arith.constant 1 : i32
    %get3A_39 = arith.index_cast %get3A_38 : i32 to index
    %get3A_40 = arith.constant 10 : index
    %get3A_41 = tpu.vector_load %arg4[%get3A_39, %get3A_40] {strides = array<i32>} : memref<32x26xi32, #tpu.memory_space<vmem>>, vector<16xi32>,
    %add3A_42 = arith.addi %get3A_41, %mul3A_14 : vector<16xi32>
    tpu.vector_store_idx %arg5[%broadcast_in_dim3A_18, %add3A_37], %broadcast_in_dim3A_5 : memref<2x26000xf32, #tpu.memory_space<vmem>>[vector<16xi32>, vector<16xi32>], vector<16xf32>,
    tpu.vector_store_idx %arg5[%broadcast_in_dim3A_18, %add3A_42], %broadcast_in_dim3A_5 : memref<2x26000xf32, #tpu.memory_space<vmem>>[vector<16xi32>, vector<16xi32>], vector<16xf32>,
    %add3A_43 = arith.constant 0 : i32
    %add3A_44 = arith.addi %mul3A_2, %add3A_43 : i32
    %dma_start3A = arith.constant 0 : i32
    %dma_start3A_45 = tpu.memref_slice %arg3[%add3A_44, %dma_start3A] : memref<1024x26000xf32, #tpu.memory_space<hbm>> -> memref<2x26000xf32, #tpu.memory_space<hbm>>
    %dma_start3A_46 = arith.constant 0 : i32
    %dma_start3A_47 = tpu.memref_slice %arg3[%add3A_44, %dma_start3A_46] : memref<1024x26000xf32, #tpu.memory_space<hbm>> -> memref<2x26000xf32, #tpu.memory_space<hbm>>
    tpu.enqueue_dma source(%arg5 : memref<2x26000xf32, #tpu.memory_space<vmem>>) target(%dma_start3A_47 : memref<2x26000xf32, #tpu.memory_space<hbm>>) target_semaphore(%arg7 : memref<!tpu.dma_semaphore, #tpu.memory_space<semaphore_mem>>)
    %get3A_48 = arith.constant 2 : i32
    %get3A_49 = arith.index_cast %get3A_48 : i32 to index
    %get3A_50 = arith.constant 0 : index
    %get3A_51 = tpu.vector_load %arg4[%get3A_49, %get3A_50] {strides = array<i32>} : memref<32x26xi32, #tpu.memory_space<vmem>>, vector<16xi32>,
    %add3A_52 = arith.addi %get3A_51, %mul3A_8 : vector<16xi32>
    %get3A_53 = arith.constant 2 : i32
    %get3A_54 = arith.index_cast %get3A_53 : i32 to index
    %get3A_55 = arith.constant 10 : index
    %get3A_56 = tpu.vector_load %arg4[%get3A_54, %get3A_55] {strides = array<i32>} : memref<32x26xi32, #tpu.memory_space<vmem>>, vector<16xi32>,
    %add3A_57 = arith.addi %get3A_56, %mul3A_14 : vector<16xi32>
    tpu.vector_store_idx %arg6[%broadcast_in_dim3A_16, %add3A_52], %broadcast_in_dim3A_5 : memref<2x26000xf32, #tpu.memory_space<vmem>>[vector<16xi32>, vector<16xi32>], vector<16xf32>,
    tpu.vector_store_idx %arg6[%broadcast_in_dim3A_16, %add3A_57], %broadcast_in_dim3A_5 : memref<2x26000xf32, #tpu.memory_space<vmem>>[vector<16xi32>, vector<16xi32>], vector<16xf32>,
    %get3A_58 = arith.constant 3 : i32
    %get3A_59 = arith.index_cast %get3A_58 : i32 to index
    %get3A_60 = arith.constant 0 : index
    %get3A_61 = tpu.vector_load %arg4[%get3A_59, %get3A_60] {strides = array<i32>} : memref<32x26xi32, #tpu.memory_space<vmem>>, vector<16xi32>,
    %add3A_62 = arith.addi %get3A_61, %mul3A_8 : vector<16xi32>
    %get3A_63 = arith.constant 3 : i32
    %get3A_64 = arith.index_cast %get3A_63 : i32 to index
    %get3A_65 = arith.constant 10 : index
    %get3A_66 = tpu.vector_load %arg4[%get3A_64, %get3A_65] {strides = array<i32>} : memref<32x26xi32, #tpu.memory_space<vmem>>, vector<16xi32>,
    %add3A_67 = arith.addi %get3A_66, %mul3A_14 : vector<16xi32>
    tpu.vector_store_idx %arg6[%broadcast_in_dim3A_18, %add3A_62], %broadcast_in_dim3A_5 : memref<2x26000xf32, #tpu.memory_space<vmem>>[vector<16xi32>, vector<16xi32>], vector<16xf32>,
    tpu.vector_store_idx %arg6[%broadcast_in_dim3A_18, %add3A_67], %broadcast_in_dim3A_5 : memref<2x26000xf32, #tpu.memory_space<vmem>>[vector<16xi32>, vector<16xi32>], vector<16xf32>,
    %add3A_68 = arith.constant 2 : i32
    %add3A_69 = arith.addi %mul3A_2, %add3A_68 : i32
    %dma_start3A_70 = arith.constant 0 : i32
    %dma_start3A_71 = tpu.memref_slice %arg3[%add3A_69, %dma_start3A_70] : memref<1024x26000xf32, #tpu.memory_space<hbm>> -> memref<2x26000xf32, #tpu.memory_space<hbm>>
    %dma_start3A_72 = arith.constant 0 : i32
    %dma_start3A_73 = tpu.memref_slice %arg3[%add3A_69, %dma_start3A_72] : memref<1024x26000xf32, #tpu.memory_space<hbm>> -> memref<2x26000xf32, #tpu.memory_space<hbm>>
    tpu.enqueue_dma source(%arg6 : memref<2x26000xf32, #tpu.memory_space<vmem>>) target(%dma_start3A_73 : memref<2x26000xf32, #tpu.memory_space<hbm>>) target_semaphore(%arg8 : memref<!tpu.dma_semaphore, #tpu.memory_space<semaphore_mem>>)
    %dma_wait3A = arith.constant 0 : i32
    %dma_wait3A_74 = tpu.memref_slice %arg3[%add3A_44, %dma_wait3A] : memref<1024x26000xf32, #tpu.memory_space<hbm>> -> memref<2x26000xf32, #tpu.memory_space<hbm>>
    %dma_wait3A_75 = arith.constant 0 : i32
    %dma_wait3A_76 = tpu.memref_slice %arg3[%add3A_44, %dma_wait3A_75] : memref<1024x26000xf32, #tpu.memory_space<hbm>> -> memref<2x26000xf32, #tpu.memory_space<hbm>>
    tpu.wait_dma2 semaphore(%arg7 : memref<!tpu.dma_semaphore, #tpu.memory_space<semaphore_mem>>) src(%arg5 : memref<2x26000xf32, #tpu.memory_space<vmem>>) dst(%dma_wait3A_76 : memref<2x26000xf32, #tpu.memory_space<hbm>>)
    tpu.vector_store_idx %arg5[%broadcast_in_dim3A_16, %add3A_27], %broadcast_in_dim3A_3 : memref<2x26000xf32, #tpu.memory_space<vmem>>[vector<16xi32>, vector<16xi32>], vector<16xf32>,
    tpu.vector_store_idx %arg5[%broadcast_in_dim3A_16, %add3A_32], %broadcast_in_dim3A_3 : memref<2x26000xf32, #tpu.memory_space<vmem>>[vector<16xi32>, vector<16xi32>], vector<16xf32>,
    tpu.vector_store_idx %arg5[%broadcast_in_dim3A_18, %add3A_37], %broadcast_in_dim3A_3 : memref<2x26000xf32, #tpu.memory_space<vmem>>[vector<16xi32>, vector<16xi32>], vector<16xf32>,
    tpu.vector_store_idx %arg5[%broadcast_in_dim3A_18, %add3A_42], %broadcast_in_dim3A_3 : memref<2x26000xf32, #tpu.memory_space<vmem>>[vector<16xi32>, vector<16xi32>], vector<16xf32>,
    %get3A_77 = arith.constant 4 : i32
    %get3A_78 = arith.index_cast %get3A_77 : i32 to index
    %get3A_79 = arith.constant 0 : index
    %get3A_80 = tpu.vector_load %arg4[%get3A_78, %get3A_79] {strides = array<i32>} : memref<32x26xi32, #tpu.memory_space<vmem>>, vector<16xi32>,
    %add3A_81 = arith.addi %get3A_80, %mul3A_8 : vector<16xi32>
    %get3A_82 = arith.constant 4 : i32
    %get3A_83 = arith.index_cast %get3A_82 : i32 to index
    %get3A_84 = arith.constant 10 : index
    %get3A_85 = tpu.vector_load %arg4[%get3A_83, %get3A_84] {strides = array<i32>} : memref<32x26xi32, #tpu.memory_space<vmem>>, vector<16xi32>,
    %add3A_86 = arith.addi %get3A_85, %mul3A_14 : vector<16xi32>
    tpu.vector_store_idx %arg5[%broadcast_in_dim3A_16, %add3A_81], %broadcast_in_dim3A_5 : memref<2x26000xf32, #tpu.memory_space<vmem>>[vector<16xi32>, vector<16xi32>], vector<16xf32>,
    tpu.vector_store_idx %arg5[%broadcast_in_dim3A_16, %add3A_86], %broadcast_in_dim3A_5 : memref<2x26000xf32, #tpu.memory_space<vmem>>[vector<16xi32>, vector<16xi32>], vector<16xf32>,
    %get3A_87 = arith.constant 5 : i32
    %get3A_88 = arith.index_cast %get3A_87 : i32 to index
    %get3A_89 = arith.constant 0 : index
    %get3A_90 = tpu.vector_load %arg4[%get3A_88, %get3A_89] {strides = array<i32>} : memref<32x26xi32, #tpu.memory_space<vmem>>, vector<16xi32>,
    %add3A_91 = arith.addi %get3A_90, %mul3A_8 : vector<16xi32>
    %get3A_92 = arith.constant 5 : i32
    %get3A_93 = arith.index_cast %get3A_92 : i32 to index
    %get3A_94 = arith.constant 10 : index
    %get3A_95 = tpu.vector_load %arg4[%get3A_93, %get3A_94] {strides = array<i32>} : memref<32x26xi32, #tpu.memory_space<vmem>>, vector<16xi32>,
    %add3A_96 = arith.addi %get3A_95, %mul3A_14 : vector<16xi32>
    tpu.vector_store_idx %arg5[%broadcast_in_dim3A_18, %add3A_91], %broadcast_in_dim3A_5 : memref<2x26000xf32, #tpu.memory_space<vmem>>[vector<16xi32>, vector<16xi32>], vector<16xf32>,
    tpu.vector_store_idx %arg5[%broadcast_in_dim3A_18, %add3A_96], %broadcast_in_dim3A_5 : memref<2x26000xf32, #tpu.memory_space<vmem>>[vector<16xi32>, vector<16xi32>], vector<16xf32>,
    %add3A_97 = arith.constant 4 : i32
    %add3A_98 = arith.addi %mul3A_2, %add3A_97 : i32
    %dma_start3A_99 = arith.constant 0 : i32
    %dma_start3A_100 = tpu.memref_slice %arg3[%add3A_98, %dma_start3A_99] : memref<1024x26000xf32, #tpu.memory_space<hbm>> -> memref<2x26000xf32, #tpu.memory_space<hbm>>
    %dma_start3A_101 = arith.constant 0 : i32
    %dma_start3A_102 = tpu.memref_slice %arg3[%add3A_98, %dma_start3A_101] : memref<1024x26000xf32, #tpu.memory_space<hbm>> -> memref<2x26000xf32, #tpu.memory_space<hbm>>
    tpu.enqueue_dma source(%arg5 : memref<2x26000xf32, #tpu.memory_space<vmem>>) target(%dma_start3A_102 : memref<2x26000xf32, #tpu.memory_space<hbm>>) target_semaphore(%arg7 : memref<!tpu.dma_semaphore, #tpu.memory_space<semaphore_mem>>)
    %dma_wait3A_103 = arith.constant 0 : i32
    %dma_wait3A_104 = tpu.memref_slice %arg3[%add3A_69, %dma_wait3A_103] : memref<1024x26000xf32, #tpu.memory_space<hbm>> -> memref<2x26000xf32, #tpu.memory_space<hbm>>
    %dma_wait3A_105 = arith.constant 0 : i32
    %dma_wait3A_106 = tpu.memref_slice %arg3[%add3A_69, %dma_wait3A_105] : memref<1024x26000xf32, #tpu.memory_space<hbm>> -> memref<2x26000xf32, #tpu.memory_space<hbm>>
    tpu.wait_dma2 semaphore(%arg8 : memref<!tpu.dma_semaphore, #tpu.memory_space<semaphore_mem>>) src(%arg6 : memref<2x26000xf32, #tpu.memory_space<vmem>>) dst(%dma_wait3A_106 : memref<2x26000xf32, #tpu.memory_space<hbm>>)
    tpu.vector_store_idx %arg6[%broadcast_in_dim3A_16, %add3A_52], %broadcast_in_dim3A_3 : memref<2x26000xf32, #tpu.memory_space<vmem>>[vector<16xi32>, vector<16xi32>], vector<16xf32>,
    tpu.vector_store_idx %arg6[%broadcast_in_dim3A_16, %add3A_57], %broadcast_in_dim3A_3 : memref<2x26000xf32, #tpu.memory_space<vmem>>[vector<16xi32>, vector<16xi32>], vector<16xf32>,
    tpu.vector_store_idx %arg6[%broadcast_in_dim3A_18, %add3A_62], %broadcast_in_dim3A_3 : memref<2x26000xf32, #tpu.memory_space<vmem>>[vector<16xi32>, vector<16xi32>], vector<16xf32>,
    tpu.vector_store_idx %arg6[%broadcast_in_dim3A_18, %add3A_67], %broadcast_in_dim3A_3 : memref<2x26000xf32, #tpu.memory_space<vmem>>[vector<16xi32>, vector<16xi32>], vector<16xf32>,
    %get3A_107 = arith.constant 6 : i32
    %get3A_108 = arith.index_cast %get3A_107 : i32 to index
    %get3A_109 = arith.constant 0 : index
    %get3A_110 = tpu.vector_load %arg4[%get3A_108, %get3A_109] {strides = array<i32>} : memref<32x26xi32, #tpu.memory_space<vmem>>, vector<16xi32>,
    %add3A_111 = arith.addi %get3A_110, %mul3A_8 : vector<16xi32>
    %get3A_112 = arith.constant 6 : i32
    %get3A_113 = arith.index_cast %get3A_112 : i32 to index
    %get3A_114 = arith.constant 10 : index
    %get3A_115 = tpu.vector_load %arg4[%get3A_113, %get3A_114] {strides = array<i32>} : memref<32x26xi32, #tpu.memory_space<vmem>>, vector<16xi32>,
    %add3A_116 = arith.addi %get3A_115, %mul3A_14 : vector<16xi32>
    tpu.vector_store_idx %arg6[%broadcast_in_dim3A_16, %add3A_111], %broadcast_in_dim3A_5 : memref<2x26000xf32, #tpu.memory_space<vmem>>[vector<16xi32>, vector<16xi32>], vector<16xf32>,
    tpu.vector_store_idx %arg6[%broadcast_in_dim3A_16, %add3A_116], %broadcast_in_dim3A_5 : memref<2x26000xf32, #tpu.memory_space<vmem>>[vector<16xi32>, vector<16xi32>], vector<16xf32>,
    %get3A_117 = arith.constant 7 : i32
    %get3A_118 = arith.index_cast %get3A_117 : i32 to index
    %get3A_119 = arith.constant 0 : index
    %get3A_120 = tpu.vector_load %arg4[%get3A_118, %get3A_119] {strides = array<i32>} : memref<32x26xi32, #tpu.memory_space<vmem>>, vector<16xi32>,
    %add3A_121 = arith.addi %get3A_120, %mul3A_8 : vector<16xi32>
    %get3A_122 = arith.constant 7 : i32
    %get3A_123 = arith.index_cast %get3A_122 : i32 to index
    %get3A_124 = arith.constant 10 : index
    %get3A_125 = tpu.vector_load %arg4[%get3A_123, %get3A_124] {strides = array<i32>} : memref<32x26xi32, #tpu.memory_space<vmem>>, vector<16xi32>,
    %add3A_126 = arith.addi %get3A_125, %mul3A_14 : vector<16xi32>
    tpu.vector_store_idx %arg6[%broadcast_in_dim3A_18, %add3A_121], %broadcast_in_dim3A_5 : memref<2x26000xf32, #tpu.memory_space<vmem>>[vector<16xi32>, vector<16xi32>], vector<16xf32>,
    tpu.vector_store_idx %arg6[%broadcast_in_dim3A_18, %add3A_126], %broadcast_in_dim3A_5 : memref<2x26000xf32, #tpu.memory_space<vmem>>[vector<16xi32>, vector<16xi32>], vector<16xf32>,
    %add3A_127 = arith.constant 6 : i32
    %add3A_128 = arith.addi %mul3A_2, %add3A_127 : i32
    %dma_start3A_129 = arith.constant 0 : i32
    %dma_start3A_130 = tpu.memref_slice %arg3[%add3A_128, %dma_start3A_129] : memref<1024x26000xf32, #tpu.memory_space<hbm>> -> memref<2x26000xf32, #tpu.memory_space<hbm>>
    %dma_start3A_131 = arith.constant 0 : i32
    %dma_start3A_132 = tpu.memref_slice %arg3[%add3A_128, %dma_start3A_131] : memref<1024x26000xf32, #tpu.memory_space<hbm>> -> memref<2x26000xf32, #tpu.memory_space<hbm>>
    tpu.enqueue_dma source(%arg6 : memref<2x26000xf32, #tpu.memory_space<vmem>>) target(%dma_start3A_132 : memref<2x26000xf32, #tpu.memory_space<hbm>>) target_semaphore(%arg8 : memref<!tpu.dma_semaphore, #tpu.memory_space<semaphore_mem>>)
    %dma_wait3A_133 = arith.constant 0 : i32
    %dma_wait3A_134 = tpu.memref_slice %arg3[%add3A_98, %dma_wait3A_133] : memref<1024x26000xf32, #tpu.memory_space<hbm>> -> memref<2x26000xf32, #tpu.memory_space<hbm>>
    %dma_wait3A_135 = arith.constant 0 : i32
    %dma_wait3A_136 = tpu.memref_slice %arg3[%add3A_98, %dma_wait3A_135] : memref<1024x26000xf32, #tpu.memory_space<hbm>> -> memref<2x26000xf32, #tpu.memory_space<hbm>>
    tpu.wait_dma2 semaphore(%arg7 : memref<!tpu.dma_semaphore, #tpu.memory_space<semaphore_mem>>) src(%arg5 : memref<2x26000xf32, #tpu.memory_space<vmem>>) dst(%dma_wait3A_136 : memref<2x26000xf32, #tpu.memory_space<hbm>>)
    tpu.vector_store_idx %arg5[%broadcast_in_dim3A_16, %add3A_81], %broadcast_in_dim3A_3 : memref<2x26000xf32, #tpu.memory_space<vmem>>[vector<16xi32>, vector<16xi32>], vector<16xf32>,
    tpu.vector_store_idx %arg5[%broadcast_in_dim3A_16, %add3A_86], %broadcast_in_dim3A_3 : memref<2x26000xf32, #tpu.memory_space<vmem>>[vector<16xi32>, vector<16xi32>], vector<16xf32>,
    tpu.vector_store_idx %arg5[%broadcast_in_dim3A_18, %add3A_91], %broadcast_in_dim3A_3 : memref<2x26000xf32, #tpu.memory_space<vmem>>[vector<16xi32>, vector<16xi32>], vector<16xf32>,
    tpu.vector_store_idx %arg5[%broadcast_in_dim3A_18, %add3A_96], %broadcast_in_dim3A_3 : memref<2x26000xf32, #tpu.memory_space<vmem>>[vector<16xi32>, vector<16xi32>], vector<16xf32>,
    %get3A_137 = arith.constant 8 : i32
    %get3A_138 = arith.index_cast %get3A_137 : i32 to index
    %get3A_139 = arith.constant 0 : index
    %get3A_140 = tpu.vector_load %arg4[%get3A_138, %get3A_139] {strides = array<i32>} : memref<32x26xi32, #tpu.memory_space<vmem>>, vector<16xi32>,
    %add3A_141 = arith.addi %get3A_140, %mul3A_8 : vector<16xi32>
    %get3A_142 = arith.constant 8 : i32
    %get3A_143 = arith.index_cast %get3A_142 : i32 to index
    %get3A_144 = arith.constant 10 : index
    %get3A_145 = tpu.vector_load %arg4[%get3A_143, %get3A_144] {strides = array<i32>} : memref<32x26xi32, #tpu.memory_space<vmem>>, vector<16xi32>,
    %add3A_146 = arith.addi %get3A_145, %mul3A_14 : vector<16xi32>
    tpu.vector_store_idx %arg5[%broadcast_in_dim3A_16, %add3A_141], %broadcast_in_dim3A_5 : memref<2x26000xf32, #tpu.memory_space<vmem>>[vector<16xi32>, vector<16xi32>], vector<16xf32>,
    tpu.vector_store_idx %arg5[%broadcast_in_dim3A_16, %add3A_146], %broadcast_in_dim3A_5 : memref<2x26000xf32, #tpu.memory_space<vmem>>[vector<16xi32>, vector<16xi32>], vector<16xf32>,
    %get3A_147 = arith.constant 9 : i32
    %get3A_148 = arith.index_cast %get3A_147 : i32 to index
    %get3A_149 = arith.constant 0 : index
    %get3A_150 = tpu.vector_load %arg4[%get3A_148, %get3A_149] {strides = array<i32>} : memref<32x26xi32, #tpu.memory_space<vmem>>, vector<16xi32>,
    %add3A_151 = arith.addi %get3A_150, %mul3A_8 : vector<16xi32>
    %get3A_152 = arith.constant 9 : i32
    %get3A_153 = arith.index_cast %get3A_152 : i32 to index
    %get3A_154 = arith.constant 10 : index
    %get3A_155 = tpu.vector_load %arg4[%get3A_153, %get3A_154] {strides = array<i32>} : memref<32x26xi32, #tpu.memory_space<vmem>>, vector<16xi32>,
    %add3A_156 = arith.addi %get3A_155, %mul3A_14 : vector<16xi32>
    tpu.vector_store_idx %arg5[%broadcast_in_dim3A_18, %add3A_151], %broadcast_in_dim3A_5 : memref<2x26000xf32, #tpu.memory_space<vmem>>[vector<16xi32>, vector<16xi32>], vector<16xf32>,
    tpu.vector_store_idx %arg5[%broadcast_in_dim3A_18, %add3A_156], %broadcast_in_dim3A_5 : memref<2x26000xf32, #tpu.memory_space<vmem>>[vector<16xi32>, vector<16xi32>], vector<16xf32>,
    %add3A_157 = arith.constant 8 : i32
    %add3A_158 = arith.addi %mul3A_2, %add3A_157 : i32
    %dma_start3A_159 = arith.constant 0 : i32
    %dma_start3A_160 = tpu.memref_slice %arg3[%add3A_158, %dma_start3A_159] : memref<1024x26000xf32, #tpu.memory_space<hbm>> -> memref<2x26000xf32, #tpu.memory_space<hbm>>
    %dma_start3A_161 = arith.constant 0 : i32
    %dma_start3A_162 = tpu.memref_slice %arg3[%add3A_158, %dma_start3A_161] : memref<1024x26000xf32, #tpu.memory_space<hbm>> -> memref<2x26000xf32, #tpu.memory_space<hbm>>
    tpu.enqueue_dma source(%arg5 : memref<2x26000xf32, #tpu.memory_space<vmem>>) target(%dma_start3A_162 : memref<2x26000xf32, #tpu.memory_space<hbm>>) target_semaphore(%arg7 : memref<!tpu.dma_semaphore, #tpu.memory_space<semaphore_mem>>)
    %dma_wait3A_163 = arith.constant 0 : i32
    %dma_wait3A_164 = tpu.memref_slice %arg3[%add3A_128, %dma_wait3A_163] : memref<1024x26000xf32, #tpu.memory_space<hbm>> -> memref<2x26000xf32, #tpu.memory_space<hbm>>
    %dma_wait3A_165 = arith.constant 0 : i32
    %dma_wait3A_166 = tpu.memref_slice %arg3[%add3A_128, %dma_wait3A_165] : memref<1024x26000xf32, #tpu.memory_space<hbm>> -> memref<2x26000xf32, #tpu.memory_space<hbm>>
    tpu.wait_dma2 semaphore(%arg8 : memref<!tpu.dma_semaphore, #tpu.memory_space<semaphore_mem>>) src(%arg6 : memref<2x26000xf32, #tpu.memory_space<vmem>>) dst(%dma_wait3A_166 : memref<2x26000xf32, #tpu.memory_space<hbm>>)
    tpu.vector_store_idx %arg6[%broadcast_in_dim3A_16, %add3A_111], %broadcast_in_dim3A_3 : memref<2x26000xf32, #tpu.memory_space<vmem>>[vector<16xi32>, vector<16xi32>], vector<16xf32>,
    tpu.vector_store_idx %arg6[%broadcast_in_dim3A_16, %add3A_116], %broadcast_in_dim3A_3 : memref<2x26000xf32, #tpu.memory_space<vmem>>[vector<16xi32>, vector<16xi32>], vector<16xf32>,
    tpu.vector_store_idx %arg6[%broadcast_in_dim3A_18, %add3A_121], %broadcast_in_dim3A_3 : memref<2x26000xf32, #tpu.memory_space<vmem>>[vector<16xi32>, vector<16xi32>], vector<16xf32>,
    tpu.vector_store_idx %arg6[%broadcast_in_dim3A_18, %add3A_126], %broadcast_in_dim3A_3 : memref<2x26000xf32, #tpu.memory_space<vmem>>[vector<16xi32>, vector<16xi32>], vector<16xf32>,
    %get3A_167 = arith.constant 10 : i32
    %get3A_168 = arith.index_cast %get3A_167 : i32 to index
    %get3A_169 = arith.constant 0 : index
    %get3A_170 = tpu.vector_load %arg4[%get3A_168, %get3A_169] {strides = array<i32>} : memref<32x26xi32, #tpu.memory_space<vmem>>, vector<16xi32>,
    %add3A_171 = arith.addi %get3A_170, %mul3A_8 : vector<16xi32>
    %get3A_172 = arith.constant 10 : i32
    %get3A_173 = arith.index_cast %get3A_172 : i32 to index
    %get3A_174 = arith.constant 10 : index
    %get3A_175 = tpu.vector_load %arg4[%get3A_173, %get3A_174] {strides = array<i32>} : memref<32x26xi32, #tpu.memory_space<vmem>>, vector<16xi32>,
    %add3A_176 = arith.addi %get3A_175, %mul3A_14 : vector<16xi32>
    tpu.vector_store_idx %arg6[%broadcast_in_dim3A_16, %add3A_171], %broadcast_in_dim3A_5 : memref<2x26000xf32, #tpu.memory_space<vmem>>[vector<16xi32>, vector<16xi32>], vector<16xf32>,
    tpu.vector_store_idx %arg6[%broadcast_in_dim3A_16, %add3A_176], %broadcast_in_dim3A_5 : memref<2x26000xf32, #tpu.memory_space<vmem>>[vector<16xi32>, vector<16xi32>], vector<16xf32>,
    %get3A_177 = arith.constant 11 : i32
    %get3A_178 = arith.index_cast %get3A_177 : i32 to index
    %get3A_179 = arith.constant 0 : index
    %get3A_180 = tpu.vector_load %arg4[%get3A_178, %get3A_179] {strides = array<i32>} : memref<32x26xi32, #tpu.memory_space<vmem>>, vector<16xi32>,
    %add3A_181 = arith.addi %get3A_180, %mul3A_8 : vector<16xi32>
    %get3A_182 = arith.constant 11 : i32
    %get3A_183 = arith.index_cast %get3A_182 : i32 to index
    %get3A_184 = arith.constant 10 : index
    %get3A_185 = tpu.vector_load %arg4[%get3A_183, %get3A_184] {strides = array<i32>} : memref<32x26xi32, #tpu.memory_space<vmem>>, vector<16xi32>,
    %add3A_186 = arith.addi %get3A_185, %mul3A_14 : vector<16xi32>
    tpu.vector_store_idx %arg6[%broadcast_in_dim3A_18, %add3A_181], %broadcast_in_dim3A_5 : memref<2x26000xf32, #tpu.memory_space<vmem>>[vector<16xi32>, vector<16xi32>], vector<16xf32>,
    tpu.vector_store_idx %arg6[%broadcast_in_dim3A_18, %add3A_186], %broadcast_in_dim3A_5 : memref<2x26000xf32, #tpu.memory_space<vmem>>[vector<16xi32>, vector<16xi32>], vector<16xf32>,
    %add3A_187 = arith.constant 10 : i32
    %add3A_188 = arith.addi %mul3A_2, %add3A_187 : i32
    %dma_start3A_189 = arith.constant 0 : i32
    %dma_start3A_190 = tpu.memref_slice %arg3[%add3A_188, %dma_start3A_189] : memref<1024x26000xf32, #tpu.memory_space<hbm>> -> memref<2x26000xf32, #tpu.memory_space<hbm>>
    %dma_start3A_191 = arith.constant 0 : i32
    %dma_start3A_192 = tpu.memref_slice %arg3[%add3A_188, %dma_start3A_191] : memref<1024x26000xf32, #tpu.memory_space<hbm>> -> memref<2x26000xf32, #tpu.memory_space<hbm>>
    tpu.enqueue_dma source(%arg6 : memref<2x26000xf32, #tpu.memory_space<vmem>>) target(%dma_start3A_192 : memref<2x26000xf32, #tpu.memory_space<hbm>>) target_semaphore(%arg8 : memref<!tpu.dma_semaphore, #tpu.memory_space<semaphore_mem>>)
    %dma_wait3A_193 = arith.constant 0 : i32
    %dma_wait3A_194 = tpu.memref_slice %arg3[%add3A_158, %dma_wait3A_193] : memref<1024x26000xf32, #tpu.memory_space<hbm>> -> memref<2x26000xf32, #tpu.memory_space<hbm>>
    %dma_wait3A_195 = arith.constant 0 : i32
    %dma_wait3A_196 = tpu.memref_slice %arg3[%add3A_158, %dma_wait3A_195] : memref<1024x26000xf32, #tpu.memory_space<hbm>> -> memref<2x26000xf32, #tpu.memory_space<hbm>>
    tpu.wait_dma2 semaphore(%arg7 : memref<!tpu.dma_semaphore, #tpu.memory_space<semaphore_mem>>) src(%arg5 : memref<2x26000xf32, #tpu.memory_space<vmem>>) dst(%dma_wait3A_196 : memref<2x26000xf32, #tpu.memory_space<hbm>>)
    tpu.vector_store_idx %arg5[%broadcast_in_dim3A_16, %add3A_141], %broadcast_in_dim3A_3 : memref<2x26000xf32, #tpu.memory_space<vmem>>[vector<16xi32>, vector<16xi32>], vector<16xf32>,
    tpu.vector_store_idx %arg5[%broadcast_in_dim3A_16, %add3A_146], %broadcast_in_dim3A_3 : memref<2x26000xf32, #tpu.memory_space<vmem>>[vector<16xi32>, vector<16xi32>], vector<16xf32>,
    tpu.vector_store_idx %arg5[%broadcast_in_dim3A_18, %add3A_151], %broadcast_in_dim3A_3 : memref<2x26000xf32, #tpu.memory_space<vmem>>[vector<16xi32>, vector<16xi32>], vector<16xf32>,
    tpu.vector_store_idx %arg5[%broadcast_in_dim3A_18, %add3A_156], %broadcast_in_dim3A_3 : memref<2x26000xf32, #tpu.memory_space<vmem>>[vector<16xi32>, vector<16xi32>], vector<16xf32>,
    %get3A_197 = arith.constant 12 : i32
    %get3A_198 = arith.index_cast %get3A_197 : i32 to index
    %get3A_199 = arith.constant 0 : index
    %get3A_200 = tpu.vector_load %arg4[%get3A_198, %get3A_199] {strides = array<i32>} : memref<32x26xi32, #tpu.memory_space<vmem>>, vector<16xi32>,
    %add3A_201 = arith.addi %get3A_200, %mul3A_8 : vector<16xi32>
    %get3A_202 = arith.constant 12 : i32
    %get3A_203 = arith.index_cast %get3A_202 : i32 to index
    %get3A_204 = arith.constant 10 : index
    %get3A_205 = tpu.vector_load %arg4[%get3A_203, %get3A_204] {strides = array<i32>} : memref<32x26xi32, #tpu.memory_space<vmem>>, vector<16xi32>,
    %add3A_206 = arith.addi %get3A_205, %mul3A_14 : vector<16xi32>
    tpu.vector_store_idx %arg5[%broadcast_in_dim3A_16, %add3A_201], %broadcast_in_dim3A_5 : memref<2x26000xf32, #tpu.memory_space<vmem>>[vector<16xi32>, vector<16xi32>], vector<16xf32>,
    tpu.vector_store_idx %arg5[%broadcast_in_dim3A_16, %add3A_206], %broadcast_in_dim3A_5 : memref<2x26000xf32, #tpu.memory_space<vmem>>[vector<16xi32>, vector<16xi32>], vector<16xf32>,
    %get3A_207 = arith.constant 13 : i32
    %get3A_208 = arith.index_cast %get3A_207 : i32 to index
    %get3A_209 = arith.constant 0 : index
    %get3A_210 = tpu.vector_load %arg4[%get3A_208, %get3A_209] {strides = array<i32>} : memref<32x26xi32, #tpu.memory_space<vmem>>, vector<16xi32>,
    %add3A_211 = arith.addi %get3A_210, %mul3A_8 : vector<16xi32>
    %get3A_212 = arith.constant 13 : i32
    %get3A_213 = arith.index_cast %get3A_212 : i32 to index
    %get3A_214 = arith.constant 10 : index
    %get3A_215 = tpu.vector_load %arg4[%get3A_213, %get3A_214] {strides = array<i32>} : memref<32x26xi32, #tpu.memory_space<vmem>>, vector<16xi32>,
    %add3A_216 = arith.addi %get3A_215, %mul3A_14 : vector<16xi32>
    tpu.vector_store_idx %arg5[%broadcast_in_dim3A_18, %add3A_211], %broadcast_in_dim3A_5 : memref<2x26000xf32, #tpu.memory_space<vmem>>[vector<16xi32>, vector<16xi32>], vector<16xf32>,
    tpu.vector_store_idx %arg5[%broadcast_in_dim3A_18, %add3A_216], %broadcast_in_dim3A_5 : memref<2x26000xf32, #tpu.memory_space<vmem>>[vector<16xi32>, vector<16xi32>], vector<16xf32>,
    %add3A_217 = arith.constant 12 : i32
    %add3A_218 = arith.addi %mul3A_2, %add3A_217 : i32
    %dma_start3A_219 = arith.constant 0 : i32
    %dma_start3A_220 = tpu.memref_slice %arg3[%add3A_218, %dma_start3A_219] : memref<1024x26000xf32, #tpu.memory_space<hbm>> -> memref<2x26000xf32, #tpu.memory_space<hbm>>
    %dma_start3A_221 = arith.constant 0 : i32
    %dma_start3A_222 = tpu.memref_slice %arg3[%add3A_218, %dma_start3A_221] : memref<1024x26000xf32, #tpu.memory_space<hbm>> -> memref<2x26000xf32, #tpu.memory_space<hbm>>
    tpu.enqueue_dma source(%arg5 : memref<2x26000xf32, #tpu.memory_space<vmem>>) target(%dma_start3A_222 : memref<2x26000xf32, #tpu.memory_space<hbm>>) target_semaphore(%arg7 : memref<!tpu.dma_semaphore, #tpu.memory_space<semaphore_mem>>)
    %dma_wait3A_223 = arith.constant 0 : i32
    %dma_wait3A_224 = tpu.memref_slice %arg3[%add3A_188, %dma_wait3A_223] : memref<1024x26000xf32, #tpu.memory_space<hbm>> -> memref<2x26000xf32, #tpu.memory_space<hbm>>
    %dma_wait3A_225 = arith.constant 0 : i32
    %dma_wait3A_226 = tpu.memref_slice %arg3[%add3A_188, %dma_wait3A_225] : memref<1024x26000xf32, #tpu.memory_space<hbm>> -> memref<2x26000xf32, #tpu.memory_space<hbm>>
    tpu.wait_dma2 semaphore(%arg8 : memref<!tpu.dma_semaphore, #tpu.memory_space<semaphore_mem>>) src(%arg6 : memref<2x26000xf32, #tpu.memory_space<vmem>>) dst(%dma_wait3A_226 : memref<2x26000xf32, #tpu.memory_space<hbm>>)
    tpu.vector_store_idx %arg6[%broadcast_in_dim3A_16, %add3A_171], %broadcast_in_dim3A_3 : memref<2x26000xf32, #tpu.memory_space<vmem>>[vector<16xi32>, vector<16xi32>], vector<16xf32>,
    tpu.vector_store_idx %arg6[%broadcast_in_dim3A_16, %add3A_176], %broadcast_in_dim3A_3 : memref<2x26000xf32, #tpu.memory_space<vmem>>[vector<16xi32>, vector<16xi32>], vector<16xf32>,
    tpu.vector_store_idx %arg6[%broadcast_in_dim3A_18, %add3A_181], %broadcast_in_dim3A_3 : memref<2x26000xf32, #tpu.memory_space<vmem>>[vector<16xi32>, vector<16xi32>], vector<16xf32>,
    tpu.vector_store_idx %arg6[%broadcast_in_dim3A_18, %add3A_186], %broadcast_in_dim3A_3 : memref<2x26000xf32, #tpu.memory_space<vmem>>[vector<16xi32>, vector<16xi32>], vector<16xf32>,
    %get3A_227 = arith.constant 14 : i32
    %get3A_228 = arith.index_cast %get3A_227 : i32 to index
    %get3A_229 = arith.constant 0 : index
    %get3A_230 = tpu.vector_load %arg4[%get3A_228, %get3A_229] {strides = array<i32>} : memref<32x26xi32, #tpu.memory_space<vmem>>, vector<16xi32>,
    %add3A_231 = arith.addi %get3A_230, %mul3A_8 : vector<16xi32>
    %get3A_232 = arith.constant 14 : i32
    %get3A_233 = arith.index_cast %get3A_232 : i32 to index
    %get3A_234 = arith.constant 10 : index
    %get3A_235 = tpu.vector_load %arg4[%get3A_233, %get3A_234] {strides = array<i32>} : memref<32x26xi32, #tpu.memory_space<vmem>>, vector<16xi32>,
    %add3A_236 = arith.addi %get3A_235, %mul3A_14 : vector<16xi32>
    tpu.vector_store_idx %arg6[%broadcast_in_dim3A_16, %add3A_231], %broadcast_in_dim3A_5 : memref<2x26000xf32, #tpu.memory_space<vmem>>[vector<16xi32>, vector<16xi32>], vector<16xf32>,
    tpu.vector_store_idx %arg6[%broadcast_in_dim3A_16, %add3A_236], %broadcast_in_dim3A_5 : memref<2x26000xf32, #tpu.memory_space<vmem>>[vector<16xi32>, vector<16xi32>], vector<16xf32>,
    %get3A_237 = arith.constant 15 : i32
    %get3A_238 = arith.index_cast %get3A_237 : i32 to index
    %get3A_239 = arith.constant 0 : index
    %get3A_240 = tpu.vector_load %arg4[%get3A_238, %get3A_239] {strides = array<i32>} : memref<32x26xi32, #tpu.memory_space<vmem>>, vector<16xi32>,
    %add3A_241 = arith.addi %get3A_240, %mul3A_8 : vector<16xi32>
    %get3A_242 = arith.constant 15 : i32
    %get3A_243 = arith.index_cast %get3A_242 : i32 to index
    %get3A_244 = arith.constant 10 : index
    %get3A_245 = tpu.vector_load %arg4[%get3A_243, %get3A_244] {strides = array<i32>} : memref<32x26xi32, #tpu.memory_space<vmem>>, vector<16xi32>,
    %add3A_246 = arith.addi %get3A_245, %mul3A_14 : vector<16xi32>
    tpu.vector_store_idx %arg6[%broadcast_in_dim3A_18, %add3A_241], %broadcast_in_dim3A_5 : memref<2x26000xf32, #tpu.memory_space<vmem>>[vector<16xi32>, vector<16xi32>], vector<16xf32>,
    tpu.vector_store_idx %arg6[%broadcast_in_dim3A_18, %add3A_246], %broadcast_in_dim3A_5 : memref<2x26000xf32, #tpu.memory_space<vmem>>[vector<16xi32>, vector<16xi32>], vector<16xf32>,
    %add3A_247 = arith.constant 14 : i32
    %add3A_248 = arith.addi %mul3A_2, %add3A_247 : i32
    %dma_start3A_249 = arith.constant 0 : i32
    %dma_start3A_250 = tpu.memref_slice %arg3[%add3A_248, %dma_start3A_249] : memref<1024x26000xf32, #tpu.memory_space<hbm>> -> memref<2x26000xf32, #tpu.memory_space<hbm>>
    %dma_start3A_251 = arith.constant 0 : i32
    %dma_start3A_252 = tpu.memref_slice %arg3[%add3A_248, %dma_start3A_251] : memref<1024x26000xf32, #tpu.memory_space<hbm>> -> memref<2x26000xf32, #tpu.memory_space<hbm>>
    tpu.enqueue_dma source(%arg6 : memref<2x26000xf32, #tpu.memory_space<vmem>>) target(%dma_start3A_252 : memref<2x26000xf32, #tpu.memory_space<hbm>>) target_semaphore(%arg8 : memref<!tpu.dma_semaphore, #tpu.memory_space<semaphore_mem>>)
    %dma_wait3A_253 = arith.constant 0 : i32
    %dma_wait3A_254 = tpu.memref_slice %arg3[%add3A_218, %dma_wait3A_253] : memref<1024x26000xf32, #tpu.memory_space<hbm>> -> memref<2x26000xf32, #tpu.memory_space<hbm>>
    %dma_wait3A_255 = arith.constant 0 : i32
    %dma_wait3A_256 = tpu.memref_slice %arg3[%add3A_218, %dma_wait3A_255] : memref<1024x26000xf32, #tpu.memory_space<hbm>> -> memref<2x26000xf32, #tpu.memory_space<hbm>>
    tpu.wait_dma2 semaphore(%arg7 : memref<!tpu.dma_semaphore, #tpu.memory_space<semaphore_mem>>) src(%arg5 : memref<2x26000xf32, #tpu.memory_space<vmem>>) dst(%dma_wait3A_256 : memref<2x26000xf32, #tpu.memory_space<hbm>>)
    tpu.vector_store_idx %arg5[%broadcast_in_dim3A_16, %add3A_201], %broadcast_in_dim3A_3 : memref<2x26000xf32, #tpu.memory_space<vmem>>[vector<16xi32>, vector<16xi32>], vector<16xf32>,
    tpu.vector_store_idx %arg5[%broadcast_in_dim3A_16, %add3A_206], %broadcast_in_dim3A_3 : memref<2x26000xf32, #tpu.memory_space<vmem>>[vector<16xi32>, vector<16xi32>], vector<16xf32>,
    tpu.vector_store_idx %arg5[%broadcast_in_dim3A_18, %add3A_211], %broadcast_in_dim3A_3 : memref<2x26000xf32, #tpu.memory_space<vmem>>[vector<16xi32>, vector<16xi32>], vector<16xf32>,
    tpu.vector_store_idx %arg5[%broadcast_in_dim3A_18, %add3A_216], %broadcast_in_dim3A_3 : memref<2x26000xf32, #tpu.memory_space<vmem>>[vector<16xi32>, vector<16xi32>], vector<16xf32>,
    %get3A_257 = arith.constant 16 : i32
    %get3A_258 = arith.index_cast %get3A_257 : i32 to index
    %get3A_259 = arith.constant 0 : index
    %get3A_260 = tpu.vector_load %arg4[%get3A_258, %get3A_259] {strides = array<i32>} : memref<32x26xi32, #tpu.memory_space<vmem>>, vector<16xi32>,
    %add3A_261 = arith.addi %get3A_260, %mul3A_8 : vector<16xi32>
    %get3A_262 = arith.constant 16 : i32
    %get3A_263 = arith.index_cast %get3A_262 : i32 to index
    %get3A_264 = arith.constant 10 : index
    %get3A_265 = tpu.vector_load %arg4[%get3A_263, %get3A_264] {strides = array<i32>} : memref<32x26xi32, #tpu.memory_space<vmem>>, vector<16xi32>,
    %add3A_266 = arith.addi %get3A_265, %mul3A_14 : vector<16xi32>
    tpu.vector_store_idx %arg5[%broadcast_in_dim3A_16, %add3A_261], %broadcast_in_dim3A_5 : memref<2x26000xf32, #tpu.memory_space<vmem>>[vector<16xi32>, vector<16xi32>], vector<16xf32>,
    tpu.vector_store_idx %arg5[%broadcast_in_dim3A_16, %add3A_266], %broadcast_in_dim3A_5 : memref<2x26000xf32, #tpu.memory_space<vmem>>[vector<16xi32>, vector<16xi32>], vector<16xf32>,
    %get3A_267 = arith.constant 17 : i32
    %get3A_268 = arith.index_cast %get3A_267 : i32 to index
    %get3A_269 = arith.constant 0 : index
    %get3A_270 = tpu.vector_load %arg4[%get3A_268, %get3A_269] {strides = array<i32>} : memref<32x26xi32, #tpu.memory_space<vmem>>, vector<16xi32>,
    %add3A_271 = arith.addi %get3A_270, %mul3A_8 : vector<16xi32>
    %get3A_272 = arith.constant 17 : i32
    %get3A_273 = arith.index_cast %get3A_272 : i32 to index
    %get3A_274 = arith.constant 10 : index
    %get3A_275 = tpu.vector_load %arg4[%get3A_273, %get3A_274] {strides = array<i32>} : memref<32x26xi32, #tpu.memory_space<vmem>>, vector<16xi32>,
    %add3A_276 = arith.addi %get3A_275, %mul3A_14 : vector<16xi32>
    tpu.vector_store_idx %arg5[%broadcast_in_dim3A_18, %add3A_271], %broadcast_in_dim3A_5 : memref<2x26000xf32, #tpu.memory_space<vmem>>[vector<16xi32>, vector<16xi32>], vector<16xf32>,
    tpu.vector_store_idx %arg5[%broadcast_in_dim3A_18, %add3A_276], %broadcast_in_dim3A_5 : memref<2x26000xf32, #tpu.memory_space<vmem>>[vector<16xi32>, vector<16xi32>], vector<16xf32>,
    %add3A_277 = arith.constant 16 : i32
    %add3A_278 = arith.addi %mul3A_2, %add3A_277 : i32
    %dma_start3A_279 = arith.constant 0 : i32
    %dma_start3A_280 = tpu.memref_slice %arg3[%add3A_278, %dma_start3A_279] : memref<1024x26000xf32, #tpu.memory_space<hbm>> -> memref<2x26000xf32, #tpu.memory_space<hbm>>
    %dma_start3A_281 = arith.constant 0 : i32
    %dma_start3A_282 = tpu.memref_slice %arg3[%add3A_278, %dma_start3A_281] : memref<1024x26000xf32, #tpu.memory_space<hbm>> -> memref<2x26000xf32, #tpu.memory_space<hbm>>
    tpu.enqueue_dma source(%arg5 : memref<2x26000xf32, #tpu.memory_space<vmem>>) target(%dma_start3A_282 : memref<2x26000xf32, #tpu.memory_space<hbm>>) target_semaphore(%arg7 : memref<!tpu.dma_semaphore, #tpu.memory_space<semaphore_mem>>)
    %dma_wait3A_283 = arith.constant 0 : i32
    %dma_wait3A_284 = tpu.memref_slice %arg3[%add3A_248, %dma_wait3A_283] : memref<1024x26000xf32, #tpu.memory_space<hbm>> -> memref<2x26000xf32, #tpu.memory_space<hbm>>
    %dma_wait3A_285 = arith.constant 0 : i32
    %dma_wait3A_286 = tpu.memref_slice %arg3[%add3A_248, %dma_wait3A_285] : memref<1024x26000xf32, #tpu.memory_space<hbm>> -> memref<2x26000xf32, #tpu.memory_space<hbm>>
    tpu.wait_dma2 semaphore(%arg8 : memref<!tpu.dma_semaphore, #tpu.memory_space<semaphore_mem>>) src(%arg6 : memref<2x26000xf32, #tpu.memory_space<vmem>>) dst(%dma_wait3A_286 : memref<2x26000xf32, #tpu.memory_space<hbm>>)
    tpu.vector_store_idx %arg6[%broadcast_in_dim3A_16, %add3A_231], %broadcast_in_dim3A_3 : memref<2x26000xf32, #tpu.memory_space<vmem>>[vector<16xi32>, vector<16xi32>], vector<16xf32>,
    tpu.vector_store_idx %arg6[%broadcast_in_dim3A_16, %add3A_236], %broadcast_in_dim3A_3 : memref<2x26000xf32, #tpu.memory_space<vmem>>[vector<16xi32>, vector<16xi32>], vector<16xf32>,
    tpu.vector_store_idx %arg6[%broadcast_in_dim3A_18, %add3A_241], %broadcast_in_dim3A_3 : memref<2x26000xf32, #tpu.memory_space<vmem>>[vector<16xi32>, vector<16xi32>], vector<16xf32>,
    tpu.vector_store_idx %arg6[%broadcast_in_dim3A_18, %add3A_246], %broadcast_in_dim3A_3 : memref<2x26000xf32, #tpu.memory_space<vmem>>[vector<16xi32>, vector<16xi32>], vector<16xf32>,
    %get3A_287 = arith.constant 18 : i32
    %get3A_288 = arith.index_cast %get3A_287 : i32 to index
    %get3A_289 = arith.constant 0 : index
    %get3A_290 = tpu.vector_load %arg4[%get3A_288, %get3A_289] {strides = array<i32>} : memref<32x26xi32, #tpu.memory_space<vmem>>, vector<16xi32>,
    %add3A_291 = arith.addi %get3A_290, %mul3A_8 : vector<16xi32>
    %get3A_292 = arith.constant 18 : i32
    %get3A_293 = arith.index_cast %get3A_292 : i32 to index
    %get3A_294 = arith.constant 10 : index
    %get3A_295 = tpu.vector_load %arg4[%get3A_293, %get3A_294] {strides = array<i32>} : memref<32x26xi32, #tpu.memory_space<vmem>>, vector<16xi32>,
    %add3A_296 = arith.addi %get3A_295, %mul3A_14 : vector<16xi32>
    tpu.vector_store_idx %arg6[%broadcast_in_dim3A_16, %add3A_291], %broadcast_in_dim3A_5 : memref<2x26000xf32, #tpu.memory_space<vmem>>[vector<16xi32>, vector<16xi32>], vector<16xf32>,
    tpu.vector_store_idx %arg6[%broadcast_in_dim3A_16, %add3A_296], %broadcast_in_dim3A_5 : memref<2x26000xf32, #tpu.memory_space<vmem>>[vector<16xi32>, vector<16xi32>], vector<16xf32>,
    %get3A_297 = arith.constant 19 : i32
    %get3A_298 = arith.index_cast %get3A_297 : i32 to index
    %get3A_299 = arith.constant 0 : index
    %get3A_300 = tpu.vector_load %arg4[%get3A_298, %get3A_299] {strides = array<i32>} : memref<32x26xi32, #tpu.memory_space<vmem>>, vector<16xi32>,
    %add3A_301 = arith.addi %get3A_300, %mul3A_8 : vector<16xi32>
    %get3A_302 = arith.constant 19 : i32
    %get3A_303 = arith.index_cast %get3A_302 : i32 to index
    %get3A_304 = arith.constant 10 : index
    %get3A_305 = tpu.vector_load %arg4[%get3A_303, %get3A_304] {strides = array<i32>} : memref<32x26xi32, #tpu.memory_space<vmem>>, vector<16xi32>,
    %add3A_306 = arith.addi %get3A_305, %mul3A_14 : vector<16xi32>
    tpu.vector_store_idx %arg6[%broadcast_in_dim3A_18, %add3A_301], %broadcast_in_dim3A_5 : memref<2x26000xf32, #tpu.memory_space<vmem>>[vector<16xi32>, vector<16xi32>], vector<16xf32>,
    tpu.vector_store_idx %arg6[%broadcast_in_dim3A_18, %add3A_306], %broadcast_in_dim3A_5 : memref<2x26000xf32, #tpu.memory_space<vmem>>[vector<16xi32>, vector<16xi32>], vector<16xf32>,
    %add3A_307 = arith.constant 18 : i32
    %add3A_308 = arith.addi %mul3A_2, %add3A_307 : i32
    %dma_start3A_309 = arith.constant 0 : i32
    %dma_start3A_310 = tpu.memref_slice %arg3[%add3A_308, %dma_start3A_309] : memref<1024x26000xf32, #tpu.memory_space<hbm>> -> memref<2x26000xf32, #tpu.memory_space<hbm>>
    %dma_start3A_311 = arith.constant 0 : i32
    %dma_start3A_312 = tpu.memref_slice %arg3[%add3A_308, %dma_start3A_311] : memref<1024x26000xf32, #tpu.memory_space<hbm>> -> memref<2x26000xf32, #tpu.memory_space<hbm>>
    tpu.enqueue_dma source(%arg6 : memref<2x26000xf32, #tpu.memory_space<vmem>>) target(%dma_start3A_312 : memref<2x26000xf32, #tpu.memory_space<hbm>>) target_semaphore(%arg8 : memref<!tpu.dma_semaphore, #tpu.memory_space<semaphore_mem>>)
    %dma_wait3A_313 = arith.constant 0 : i32
    %dma_wait3A_314 = tpu.memref_slice %arg3[%add3A_278, %dma_wait3A_313] : memref<1024x26000xf32, #tpu.memory_space<hbm>> -> memref<2x26000xf32, #tpu.memory_space<hbm>>
    %dma_wait3A_315 = arith.constant 0 : i32
    %dma_wait3A_316 = tpu.memref_slice %arg3[%add3A_278, %dma_wait3A_315] : memref<1024x26000xf32, #tpu.memory_space<hbm>> -> memref<2x26000xf32, #tpu.memory_space<hbm>>
    tpu.wait_dma2 semaphore(%arg7 : memref<!tpu.dma_semaphore, #tpu.memory_space<semaphore_mem>>) src(%arg5 : memref<2x26000xf32, #tpu.memory_space<vmem>>) dst(%dma_wait3A_316 : memref<2x26000xf32, #tpu.memory_space<hbm>>)
    tpu.vector_store_idx %arg5[%broadcast_in_dim3A_16, %add3A_261], %broadcast_in_dim3A_3 : memref<2x26000xf32, #tpu.memory_space<vmem>>[vector<16xi32>, vector<16xi32>], vector<16xf32>,
    tpu.vector_store_idx %arg5[%broadcast_in_dim3A_16, %add3A_266], %broadcast_in_dim3A_3 : memref<2x26000xf32, #tpu.memory_space<vmem>>[vector<16xi32>, vector<16xi32>], vector<16xf32>,
    tpu.vector_store_idx %arg5[%broadcast_in_dim3A_18, %add3A_271], %broadcast_in_dim3A_3 : memref<2x26000xf32, #tpu.memory_space<vmem>>[vector<16xi32>, vector<16xi32>], vector<16xf32>,
    tpu.vector_store_idx %arg5[%broadcast_in_dim3A_18, %add3A_276], %broadcast_in_dim3A_3 : memref<2x26000xf32, #tpu.memory_space<vmem>>[vector<16xi32>, vector<16xi32>], vector<16xf32>,
    %get3A_317 = arith.constant 20 : i32
    %get3A_318 = arith.index_cast %get3A_317 : i32 to index
    %get3A_319 = arith.constant 0 : index
    %get3A_320 = tpu.vector_load %arg4[%get3A_318, %get3A_319] {strides = array<i32>} : memref<32x26xi32, #tpu.memory_space<vmem>>, vector<16xi32>,
    %add3A_321 = arith.addi %get3A_320, %mul3A_8 : vector<16xi32>
    %get3A_322 = arith.constant 20 : i32
    %get3A_323 = arith.index_cast %get3A_322 : i32 to index
    %get3A_324 = arith.constant 10 : index
    %get3A_325 = tpu.vector_load %arg4[%get3A_323, %get3A_324] {strides = array<i32>} : memref<32x26xi32, #tpu.memory_space<vmem>>, vector<16xi32>,
    %add3A_326 = arith.addi %get3A_325, %mul3A_14 : vector<16xi32>
    tpu.vector_store_idx %arg5[%broadcast_in_dim3A_16, %add3A_321], %broadcast_in_dim3A_5 : memref<2x26000xf32, #tpu.memory_space<vmem>>[vector<16xi32>, vector<16xi32>], vector<16xf32>,
    tpu.vector_store_idx %arg5[%broadcast_in_dim3A_16, %add3A_326], %broadcast_in_dim3A_5 : memref<2x26000xf32, #tpu.memory_space<vmem>>[vector<16xi32>, vector<16xi32>], vector<16xf32>,
    %get3A_327 = arith.constant 21 : i32
    %get3A_328 = arith.index_cast %get3A_327 : i32 to index
    %get3A_329 = arith.constant 0 : index
    %get3A_330 = tpu.vector_load %arg4[%get3A_328, %get3A_329] {strides = array<i32>} : memref<32x26xi32, #tpu.memory_space<vmem>>, vector<16xi32>,
    %add3A_331 = arith.addi %get3A_330, %mul3A_8 : vector<16xi32>
    %get3A_332 = arith.constant 21 : i32
    %get3A_333 = arith.index_cast %get3A_332 : i32 to index
    %get3A_334 = arith.constant 10 : index
    %get3A_335 = tpu.vector_load %arg4[%get3A_333, %get3A_334] {strides = array<i32>} : memref<32x26xi32, #tpu.memory_space<vmem>>, vector<16xi32>,
    %add3A_336 = arith.addi %get3A_335, %mul3A_14 : vector<16xi32>
    tpu.vector_store_idx %arg5[%broadcast_in_dim3A_18, %add3A_331], %broadcast_in_dim3A_5 : memref<2x26000xf32, #tpu.memory_space<vmem>>[vector<16xi32>, vector<16xi32>], vector<16xf32>,
    tpu.vector_store_idx %arg5[%broadcast_in_dim3A_18, %add3A_336], %broadcast_in_dim3A_5 : memref<2x26000xf32, #tpu.memory_space<vmem>>[vector<16xi32>, vector<16xi32>], vector<16xf32>,
    %add3A_337 = arith.constant 20 : i32
    %add3A_338 = arith.addi %mul3A_2, %add3A_337 : i32
    %dma_start3A_339 = arith.constant 0 : i32
    %dma_start3A_340 = tpu.memref_slice %arg3[%add3A_338, %dma_start3A_339] : memref<1024x26000xf32, #tpu.memory_space<hbm>> -> memref<2x26000xf32, #tpu.memory_space<hbm>>
    %dma_start3A_341 = arith.constant 0 : i32
    %dma_start3A_342 = tpu.memref_slice %arg3[%add3A_338, %dma_start3A_341] : memref<1024x26000xf32, #tpu.memory_space<hbm>> -> memref<2x26000xf32, #tpu.memory_space<hbm>>
    tpu.enqueue_dma source(%arg5 : memref<2x26000xf32, #tpu.memory_space<vmem>>) target(%dma_start3A_342 : memref<2x26000xf32, #tpu.memory_space<hbm>>) target_semaphore(%arg7 : memref<!tpu.dma_semaphore, #tpu.memory_space<semaphore_mem>>)
    %dma_wait3A_343 = arith.constant 0 : i32
    %dma_wait3A_344 = tpu.memref_slice %arg3[%add3A_308, %dma_wait3A_343] : memref<1024x26000xf32, #tpu.memory_space<hbm>> -> memref<2x26000xf32, #tpu.memory_space<hbm>>
    %dma_wait3A_345 = arith.constant 0 : i32
    %dma_wait3A_346 = tpu.memref_slice %arg3[%add3A_308, %dma_wait3A_345] : memref<1024x26000xf32, #tpu.memory_space<hbm>> -> memref<2x26000xf32, #tpu.memory_space<hbm>>
    tpu.wait_dma2 semaphore(%arg8 : memref<!tpu.dma_semaphore, #tpu.memory_space<semaphore_mem>>) src(%arg6 : memref<2x26000xf32, #tpu.memory_space<vmem>>) dst(%dma_wait3A_346 : memref<2x26000xf32, #tpu.memory_space<hbm>>)
    tpu.vector_store_idx %arg6[%broadcast_in_dim3A_16, %add3A_291], %broadcast_in_dim3A_3 : memref<2x26000xf32, #tpu.memory_space<vmem>>[vector<16xi32>, vector<16xi32>], vector<16xf32>,
    tpu.vector_store_idx %arg6[%broadcast_in_dim3A_16, %add3A_296], %broadcast_in_dim3A_3 : memref<2x26000xf32, #tpu.memory_space<vmem>>[vector<16xi32>, vector<16xi32>], vector<16xf32>,
    tpu.vector_store_idx %arg6[%broadcast_in_dim3A_18, %add3A_301], %broadcast_in_dim3A_3 : memref<2x26000xf32, #tpu.memory_space<vmem>>[vector<16xi32>, vector<16xi32>], vector<16xf32>,
    tpu.vector_store_idx %arg6[%broadcast_in_dim3A_18, %add3A_306], %broadcast_in_dim3A_3 : memref<2x26000xf32, #tpu.memory_space<vmem>>[vector<16xi32>, vector<16xi32>], vector<16xf32>,
    %get3A_347 = arith.constant 22 : i32
    %get3A_348 = arith.index_cast %get3A_347 : i32 to index
    %get3A_349 = arith.constant 0 : index
    %get3A_350 = tpu.vector_load %arg4[%get3A_348, %get3A_349] {strides = array<i32>} : memref<32x26xi32, #tpu.memory_space<vmem>>, vector<16xi32>,
    %add3A_351 = arith.addi %get3A_350, %mul3A_8 : vector<16xi32>
    %get3A_352 = arith.constant 22 : i32
    %get3A_353 = arith.index_cast %get3A_352 : i32 to index
    %get3A_354 = arith.constant 10 : index
    %get3A_355 = tpu.vector_load %arg4[%get3A_353, %get3A_354] {strides = array<i32>} : memref<32x26xi32, #tpu.memory_space<vmem>>, vector<16xi32>,
    %add3A_356 = arith.addi %get3A_355, %mul3A_14 : vector<16xi32>
    tpu.vector_store_idx %arg6[%broadcast_in_dim3A_16, %add3A_351], %broadcast_in_dim3A_5 : memref<2x26000xf32, #tpu.memory_space<vmem>>[vector<16xi32>, vector<16xi32>], vector<16xf32>,
    tpu.vector_store_idx %arg6[%broadcast_in_dim3A_16, %add3A_356], %broadcast_in_dim3A_5 : memref<2x26000xf32, #tpu.memory_space<vmem>>[vector<16xi32>, vector<16xi32>], vector<16xf32>,
    %get3A_357 = arith.constant 23 : i32
    %get3A_358 = arith.index_cast %get3A_357 : i32 to index
    %get3A_359 = arith.constant 0 : index
    %get3A_360 = tpu.vector_load %arg4[%get3A_358, %get3A_359] {strides = array<i32>} : memref<32x26xi32, #tpu.memory_space<vmem>>, vector<16xi32>,
    %add3A_361 = arith.addi %get3A_360, %mul3A_8 : vector<16xi32>
    %get3A_362 = arith.constant 23 : i32
    %get3A_363 = arith.index_cast %get3A_362 : i32 to index
    %get3A_364 = arith.constant 10 : index
    %get3A_365 = tpu.vector_load %arg4[%get3A_363, %get3A_364] {strides = array<i32>} : memref<32x26xi32, #tpu.memory_space<vmem>>, vector<16xi32>,
    %add3A_366 = arith.addi %get3A_365, %mul3A_14 : vector<16xi32>
    tpu.vector_store_idx %arg6[%broadcast_in_dim3A_18, %add3A_361], %broadcast_in_dim3A_5 : memref<2x26000xf32, #tpu.memory_space<vmem>>[vector<16xi32>, vector<16xi32>], vector<16xf32>,
    tpu.vector_store_idx %arg6[%broadcast_in_dim3A_18, %add3A_366], %broadcast_in_dim3A_5 : memref<2x26000xf32, #tpu.memory_space<vmem>>[vector<16xi32>, vector<16xi32>], vector<16xf32>,
    %add3A_367 = arith.constant 22 : i32
    %add3A_368 = arith.addi %mul3A_2, %add3A_367 : i32
    %dma_start3A_369 = arith.constant 0 : i32
    %dma_start3A_370 = tpu.memref_slice %arg3[%add3A_368, %dma_start3A_369] : memref<1024x26000xf32, #tpu.memory_space<hbm>> -> memref<2x26000xf32, #tpu.memory_space<hbm>>
    %dma_start3A_371 = arith.constant 0 : i32
    %dma_start3A_372 = tpu.memref_slice %arg3[%add3A_368, %dma_start3A_371] : memref<1024x26000xf32, #tpu.memory_space<hbm>> -> memref<2x26000xf32, #tpu.memory_space<hbm>>
    tpu.enqueue_dma source(%arg6 : memref<2x26000xf32, #tpu.memory_space<vmem>>) target(%dma_start3A_372 : memref<2x26000xf32, #tpu.memory_space<hbm>>) target_semaphore(%arg8 : memref<!tpu.dma_semaphore, #tpu.memory_space<semaphore_mem>>)
    %dma_wait3A_373 = arith.constant 0 : i32
    %dma_wait3A_374 = tpu.memref_slice %arg3[%add3A_338, %dma_wait3A_373] : memref<1024x26000xf32, #tpu.memory_space<hbm>> -> memref<2x26000xf32, #tpu.memory_space<hbm>>
    %dma_wait3A_375 = arith.constant 0 : i32
    %dma_wait3A_376 = tpu.memref_slice %arg3[%add3A_338, %dma_wait3A_375] : memref<1024x26000xf32, #tpu.memory_space<hbm>> -> memref<2x26000xf32, #tpu.memory_space<hbm>>
    tpu.wait_dma2 semaphore(%arg7 : memref<!tpu.dma_semaphore, #tpu.memory_space<semaphore_mem>>) src(%arg5 : memref<2x26000xf32, #tpu.memory_space<vmem>>) dst(%dma_wait3A_376 : memref<2x26000xf32, #tpu.memory_space<hbm>>)
    tpu.vector_store_idx %arg5[%broadcast_in_dim3A_16, %add3A_321], %broadcast_in_dim3A_3 : memref<2x26000xf32, #tpu.memory_space<vmem>>[vector<16xi32>, vector<16xi32>], vector<16xf32>,
    tpu.vector_store_idx %arg5[%broadcast_in_dim3A_16, %add3A_326], %broadcast_in_dim3A_3 : memref<2x26000xf32, #tpu.memory_space<vmem>>[vector<16xi32>, vector<16xi32>], vector<16xf32>,
    tpu.vector_store_idx %arg5[%broadcast_in_dim3A_18, %add3A_331], %broadcast_in_dim3A_3 : memref<2x26000xf32, #tpu.memory_space<vmem>>[vector<16xi32>, vector<16xi32>], vector<16xf32>,
    tpu.vector_store_idx %arg5[%broadcast_in_dim3A_18, %add3A_336], %broadcast_in_dim3A_3 : memref<2x26000xf32, #tpu.memory_space<vmem>>[vector<16xi32>, vector<16xi32>], vector<16xf32>,
    %get3A_377 = arith.constant 24 : i32
    %get3A_378 = arith.index_cast %get3A_377 : i32 to index
    %get3A_379 = arith.constant 0 : index
    %get3A_380 = tpu.vector_load %arg4[%get3A_378, %get3A_379] {strides = array<i32>} : memref<32x26xi32, #tpu.memory_space<vmem>>, vector<16xi32>,
    %add3A_381 = arith.addi %get3A_380, %mul3A_8 : vector<16xi32>
    %get3A_382 = arith.constant 24 : i32
    %get3A_383 = arith.index_cast %get3A_382 : i32 to index
    %get3A_384 = arith.constant 10 : index
    %get3A_385 = tpu.vector_load %arg4[%get3A_383, %get3A_384] {strides = array<i32>} : memref<32x26xi32, #tpu.memory_space<vmem>>, vector<16xi32>,
    %add3A_386 = arith.addi %get3A_385, %mul3A_14 : vector<16xi32>
    tpu.vector_store_idx %arg5[%broadcast_in_dim3A_16, %add3A_381], %broadcast_in_dim3A_5 : memref<2x26000xf32, #tpu.memory_space<vmem>>[vector<16xi32>, vector<16xi32>], vector<16xf32>,
    tpu.vector_store_idx %arg5[%broadcast_in_dim3A_16, %add3A_386], %broadcast_in_dim3A_5 : memref<2x26000xf32, #tpu.memory_space<vmem>>[vector<16xi32>, vector<16xi32>], vector<16xf32>,
    %get3A_387 = arith.constant 25 : i32
    %get3A_388 = arith.index_cast %get3A_387 : i32 to index
    %get3A_389 = arith.constant 0 : index
    %get3A_390 = tpu.vector_load %arg4[%get3A_388, %get3A_389] {strides = array<i32>} : memref<32x26xi32, #tpu.memory_space<vmem>>, vector<16xi32>,
    %add3A_391 = arith.addi %get3A_390, %mul3A_8 : vector<16xi32>
    %get3A_392 = arith.constant 25 : i32
    %get3A_393 = arith.index_cast %get3A_392 : i32 to index
    %get3A_394 = arith.constant 10 : index
    %get3A_395 = tpu.vector_load %arg4[%get3A_393, %get3A_394] {strides = array<i32>} : memref<32x26xi32, #tpu.memory_space<vmem>>, vector<16xi32>,
    %add3A_396 = arith.addi %get3A_395, %mul3A_14 : vector<16xi32>
    tpu.vector_store_idx %arg5[%broadcast_in_dim3A_18, %add3A_391], %broadcast_in_dim3A_5 : memref<2x26000xf32, #tpu.memory_space<vmem>>[vector<16xi32>, vector<16xi32>], vector<16xf32>,
    tpu.vector_store_idx %arg5[%broadcast_in_dim3A_18, %add3A_396], %broadcast_in_dim3A_5 : memref<2x26000xf32, #tpu.memory_space<vmem>>[vector<16xi32>, vector<16xi32>], vector<16xf32>,
    %add3A_397 = arith.constant 24 : i32
    %add3A_398 = arith.addi %mul3A_2, %add3A_397 : i32
    %dma_start3A_399 = arith.constant 0 : i32
    %dma_start3A_400 = tpu.memref_slice %arg3[%add3A_398, %dma_start3A_399] : memref<1024x26000xf32, #tpu.memory_space<hbm>> -> memref<2x26000xf32, #tpu.memory_space<hbm>>
    %dma_start3A_401 = arith.constant 0 : i32
    %dma_start3A_402 = tpu.memref_slice %arg3[%add3A_398, %dma_start3A_401] : memref<1024x26000xf32, #tpu.memory_space<hbm>> -> memref<2x26000xf32, #tpu.memory_space<hbm>>
    tpu.enqueue_dma source(%arg5 : memref<2x26000xf32, #tpu.memory_space<vmem>>) target(%dma_start3A_402 : memref<2x26000xf32, #tpu.memory_space<hbm>>) target_semaphore(%arg7 : memref<!tpu.dma_semaphore, #tpu.memory_space<semaphore_mem>>)
    %dma_wait3A_403 = arith.constant 0 : i32
    %dma_wait3A_404 = tpu.memref_slice %arg3[%add3A_368, %dma_wait3A_403] : memref<1024x26000xf32, #tpu.memory_space<hbm>> -> memref<2x26000xf32, #tpu.memory_space<hbm>>
    %dma_wait3A_405 = arith.constant 0 : i32
    %dma_wait3A_406 = tpu.memref_slice %arg3[%add3A_368, %dma_wait3A_405] : memref<1024x26000xf32, #tpu.memory_space<hbm>> -> memref<2x26000xf32, #tpu.memory_space<hbm>>
    tpu.wait_dma2 semaphore(%arg8 : memref<!tpu.dma_semaphore, #tpu.memory_space<semaphore_mem>>) src(%arg6 : memref<2x26000xf32, #tpu.memory_space<vmem>>) dst(%dma_wait3A_406 : memref<2x26000xf32, #tpu.memory_space<hbm>>)
    tpu.vector_store_idx %arg6[%broadcast_in_dim3A_16, %add3A_351], %broadcast_in_dim3A_3 : memref<2x26000xf32, #tpu.memory_space<vmem>>[vector<16xi32>, vector<16xi32>], vector<16xf32>,
    tpu.vector_store_idx %arg6[%broadcast_in_dim3A_16, %add3A_356], %broadcast_in_dim3A_3 : memref<2x26000xf32, #tpu.memory_space<vmem>>[vector<16xi32>, vector<16xi32>], vector<16xf32>,
    tpu.vector_store_idx %arg6[%broadcast_in_dim3A_18, %add3A_361], %broadcast_in_dim3A_3 : memref<2x26000xf32, #tpu.memory_space<vmem>>[vector<16xi32>, vector<16xi32>], vector<16xf32>,
    tpu.vector_store_idx %arg6[%broadcast_in_dim3A_18, %add3A_366], %broadcast_in_dim3A_3 : memref<2x26000xf32, #tpu.memory_space<vmem>>[vector<16xi32>, vector<16xi32>], vector<16xf32>,
    %get3A_407 = arith.constant 26 : i32
    %get3A_408 = arith.index_cast %get3A_407 : i32 to index
    %get3A_409 = arith.constant 0 : index
    %get3A_410 = tpu.vector_load %arg4[%get3A_408, %get3A_409] {strides = array<i32>} : memref<32x26xi32, #tpu.memory_space<vmem>>, vector<16xi32>,
    %add3A_411 = arith.addi %get3A_410, %mul3A_8 : vector<16xi32>
    %get3A_412 = arith.constant 26 : i32
    %get3A_413 = arith.index_cast %get3A_412 : i32 to index
    %get3A_414 = arith.constant 10 : index
    %get3A_415 = tpu.vector_load %arg4[%get3A_413, %get3A_414] {strides = array<i32>} : memref<32x26xi32, #tpu.memory_space<vmem>>, vector<16xi32>,
    %add3A_416 = arith.addi %get3A_415, %mul3A_14 : vector<16xi32>
    tpu.vector_store_idx %arg6[%broadcast_in_dim3A_16, %add3A_411], %broadcast_in_dim3A_5 : memref<2x26000xf32, #tpu.memory_space<vmem>>[vector<16xi32>, vector<16xi32>], vector<16xf32>,
    tpu.vector_store_idx %arg6[%broadcast_in_dim3A_16, %add3A_416], %broadcast_in_dim3A_5 : memref<2x26000xf32, #tpu.memory_space<vmem>>[vector<16xi32>, vector<16xi32>], vector<16xf32>,
    %get3A_417 = arith.constant 27 : i32
    %get3A_418 = arith.index_cast %get3A_417 : i32 to index
    %get3A_419 = arith.constant 0 : index
    %get3A_420 = tpu.vector_load %arg4[%get3A_418, %get3A_419] {strides = array<i32>} : memref<32x26xi32, #tpu.memory_space<vmem>>, vector<16xi32>,
    %add3A_421 = arith.addi %get3A_420, %mul3A_8 : vector<16xi32>
    %get3A_422 = arith.constant 27 : i32
    %get3A_423 = arith.index_cast %get3A_422 : i32 to index
    %get3A_424 = arith.constant 10 : index
    %get3A_425 = tpu.vector_load %arg4[%get3A_423, %get3A_424] {strides = array<i32>} : memref<32x26xi32, #tpu.memory_space<vmem>>, vector<16xi32>,
    %add3A_426 = arith.addi %get3A_425, %mul3A_14 : vector<16xi32>
    tpu.vector_store_idx %arg6[%broadcast_in_dim3A_18, %add3A_421], %broadcast_in_dim3A_5 : memref<2x26000xf32, #tpu.memory_space<vmem>>[vector<16xi32>, vector<16xi32>], vector<16xf32>,
    tpu.vector_store_idx %arg6[%broadcast_in_dim3A_18, %add3A_426], %broadcast_in_dim3A_5 : memref<2x26000xf32, #tpu.memory_space<vmem>>[vector<16xi32>, vector<16xi32>], vector<16xf32>,
    %add3A_427 = arith.constant 26 : i32
    %add3A_428 = arith.addi %mul3A_2, %add3A_427 : i32
    %dma_start3A_429 = arith.constant 0 : i32
    %dma_start3A_430 = tpu.memref_slice %arg3[%add3A_428, %dma_start3A_429] : memref<1024x26000xf32, #tpu.memory_space<hbm>> -> memref<2x26000xf32, #tpu.memory_space<hbm>>
    %dma_start3A_431 = arith.constant 0 : i32
    %dma_start3A_432 = tpu.memref_slice %arg3[%add3A_428, %dma_start3A_431] : memref<1024x26000xf32, #tpu.memory_space<hbm>> -> memref<2x26000xf32, #tpu.memory_space<hbm>>
    tpu.enqueue_dma source(%arg6 : memref<2x26000xf32, #tpu.memory_space<vmem>>) target(%dma_start3A_432 : memref<2x26000xf32, #tpu.memory_space<hbm>>) target_semaphore(%arg8 : memref<!tpu.dma_semaphore, #tpu.memory_space<semaphore_mem>>)
    %dma_wait3A_433 = arith.constant 0 : i32
    %dma_wait3A_434 = tpu.memref_slice %arg3[%add3A_398, %dma_wait3A_433] : memref<1024x26000xf32, #tpu.memory_space<hbm>> -> memref<2x26000xf32, #tpu.memory_space<hbm>>
    %dma_wait3A_435 = arith.constant 0 : i32
    %dma_wait3A_436 = tpu.memref_slice %arg3[%add3A_398, %dma_wait3A_435] : memref<1024x26000xf32, #tpu.memory_space<hbm>> -> memref<2x26000xf32, #tpu.memory_space<hbm>>
    tpu.wait_dma2 semaphore(%arg7 : memref<!tpu.dma_semaphore, #tpu.memory_space<semaphore_mem>>) src(%arg5 : memref<2x26000xf32, #tpu.memory_space<vmem>>) dst(%dma_wait3A_436 : memref<2x26000xf32, #tpu.memory_space<hbm>>)
    tpu.vector_store_idx %arg5[%broadcast_in_dim3A_16, %add3A_381], %broadcast_in_dim3A_3 : memref<2x26000xf32, #tpu.memory_space<vmem>>[vector<16xi32>, vector<16xi32>], vector<16xf32>,
    tpu.vector_store_idx %arg5[%broadcast_in_dim3A_16, %add3A_386], %broadcast_in_dim3A_3 : memref<2x26000xf32, #tpu.memory_space<vmem>>[vector<16xi32>, vector<16xi32>], vector<16xf32>,
    tpu.vector_store_idx %arg5[%broadcast_in_dim3A_18, %add3A_391], %broadcast_in_dim3A_3 : memref<2x26000xf32, #tpu.memory_space<vmem>>[vector<16xi32>, vector<16xi32>], vector<16xf32>,
    tpu.vector_store_idx %arg5[%broadcast_in_dim3A_18, %add3A_396], %broadcast_in_dim3A_3 : memref<2x26000xf32, #tpu.memory_space<vmem>>[vector<16xi32>, vector<16xi32>], vector<16xf32>,
    %get3A_437 = arith.constant 28 : i32
    %get3A_438 = arith.index_cast %get3A_437 : i32 to index
    %get3A_439 = arith.constant 0 : index
    %get3A_440 = tpu.vector_load %arg4[%get3A_438, %get3A_439] {strides = array<i32>} : memref<32x26xi32, #tpu.memory_space<vmem>>, vector<16xi32>,
    %add3A_441 = arith.addi %get3A_440, %mul3A_8 : vector<16xi32>
    %get3A_442 = arith.constant 28 : i32
    %get3A_443 = arith.index_cast %get3A_442 : i32 to index
    %get3A_444 = arith.constant 10 : index
    %get3A_445 = tpu.vector_load %arg4[%get3A_443, %get3A_444] {strides = array<i32>} : memref<32x26xi32, #tpu.memory_space<vmem>>, vector<16xi32>,
    %add3A_446 = arith.addi %get3A_445, %mul3A_14 : vector<16xi32>
    tpu.vector_store_idx %arg5[%broadcast_in_dim3A_16, %add3A_441], %broadcast_in_dim3A_5 : memref<2x26000xf32, #tpu.memory_space<vmem>>[vector<16xi32>, vector<16xi32>], vector<16xf32>,
    tpu.vector_store_idx %arg5[%broadcast_in_dim3A_16, %add3A_446], %broadcast_in_dim3A_5 : memref<2x26000xf32, #tpu.memory_space<vmem>>[vector<16xi32>, vector<16xi32>], vector<16xf32>,
    %get3A_447 = arith.constant 29 : i32
    %get3A_448 = arith.index_cast %get3A_447 : i32 to index
    %get3A_449 = arith.constant 0 : index
    %get3A_450 = tpu.vector_load %arg4[%get3A_448, %get3A_449] {strides = array<i32>} : memref<32x26xi32, #tpu.memory_space<vmem>>, vector<16xi32>,
    %add3A_451 = arith.addi %get3A_450, %mul3A_8 : vector<16xi32>
    %get3A_452 = arith.constant 29 : i32
    %get3A_453 = arith.index_cast %get3A_452 : i32 to index
    %get3A_454 = arith.constant 10 : index
    %get3A_455 = tpu.vector_load %arg4[%get3A_453, %get3A_454] {strides = array<i32>} : memref<32x26xi32, #tpu.memory_space<vmem>>, vector<16xi32>,
    %add3A_456 = arith.addi %get3A_455, %mul3A_14 : vector<16xi32>
    tpu.vector_store_idx %arg5[%broadcast_in_dim3A_18, %add3A_451], %broadcast_in_dim3A_5 : memref<2x26000xf32, #tpu.memory_space<vmem>>[vector<16xi32>, vector<16xi32>], vector<16xf32>,
    tpu.vector_store_idx %arg5[%broadcast_in_dim3A_18, %add3A_456], %broadcast_in_dim3A_5 : memref<2x26000xf32, #tpu.memory_space<vmem>>[vector<16xi32>, vector<16xi32>], vector<16xf32>,
    %add3A_457 = arith.constant 28 : i32
    %add3A_458 = arith.addi %mul3A_2, %add3A_457 : i32
    %dma_start3A_459 = arith.constant 0 : i32
    %dma_start3A_460 = tpu.memref_slice %arg3[%add3A_458, %dma_start3A_459] : memref<1024x26000xf32, #tpu.memory_space<hbm>> -> memref<2x26000xf32, #tpu.memory_space<hbm>>
    %dma_start3A_461 = arith.constant 0 : i32
    %dma_start3A_462 = tpu.memref_slice %arg3[%add3A_458, %dma_start3A_461] : memref<1024x26000xf32, #tpu.memory_space<hbm>> -> memref<2x26000xf32, #tpu.memory_space<hbm>>
    tpu.enqueue_dma source(%arg5 : memref<2x26000xf32, #tpu.memory_space<vmem>>) target(%dma_start3A_462 : memref<2x26000xf32, #tpu.memory_space<hbm>>) target_semaphore(%arg7 : memref<!tpu.dma_semaphore, #tpu.memory_space<semaphore_mem>>)
    %dma_wait3A_463 = arith.constant 0 : i32
    %dma_wait3A_464 = tpu.memref_slice %arg3[%add3A_428, %dma_wait3A_463] : memref<1024x26000xf32, #tpu.memory_space<hbm>> -> memref<2x26000xf32, #tpu.memory_space<hbm>>
    %dma_wait3A_465 = arith.constant 0 : i32
    %dma_wait3A_466 = tpu.memref_slice %arg3[%add3A_428, %dma_wait3A_465] : memref<1024x26000xf32, #tpu.memory_space<hbm>> -> memref<2x26000xf32, #tpu.memory_space<hbm>>
    tpu.wait_dma2 semaphore(%arg8 : memref<!tpu.dma_semaphore, #tpu.memory_space<semaphore_mem>>) src(%arg6 : memref<2x26000xf32, #tpu.memory_space<vmem>>) dst(%dma_wait3A_466 : memref<2x26000xf32, #tpu.memory_space<hbm>>)
    tpu.vector_store_idx %arg6[%broadcast_in_dim3A_16, %add3A_411], %broadcast_in_dim3A_3 : memref<2x26000xf32, #tpu.memory_space<vmem>>[vector<16xi32>, vector<16xi32>], vector<16xf32>,
    tpu.vector_store_idx %arg6[%broadcast_in_dim3A_16, %add3A_416], %broadcast_in_dim3A_3 : memref<2x26000xf32, #tpu.memory_space<vmem>>[vector<16xi32>, vector<16xi32>], vector<16xf32>,
    tpu.vector_store_idx %arg6[%broadcast_in_dim3A_18, %add3A_421], %broadcast_in_dim3A_3 : memref<2x26000xf32, #tpu.memory_space<vmem>>[vector<16xi32>, vector<16xi32>], vector<16xf32>,
    tpu.vector_store_idx %arg6[%broadcast_in_dim3A_18, %add3A_426], %broadcast_in_dim3A_3 : memref<2x26000xf32, #tpu.memory_space<vmem>>[vector<16xi32>, vector<16xi32>], vector<16xf32>,
    %get3A_467 = arith.constant 30 : i32
    %get3A_468 = arith.index_cast %get3A_467 : i32 to index
    %get3A_469 = arith.constant 0 : index
    %get3A_470 = tpu.vector_load %arg4[%get3A_468, %get3A_469] {strides = array<i32>} : memref<32x26xi32, #tpu.memory_space<vmem>>, vector<16xi32>,
    %add3A_471 = arith.addi %get3A_470, %mul3A_8 : vector<16xi32>
    %get3A_472 = arith.constant 30 : i32
    %get3A_473 = arith.index_cast %get3A_472 : i32 to index
    %get3A_474 = arith.constant 10 : index
    %get3A_475 = tpu.vector_load %arg4[%get3A_473, %get3A_474] {strides = array<i32>} : memref<32x26xi32, #tpu.memory_space<vmem>>, vector<16xi32>,
    %add3A_476 = arith.addi %get3A_475, %mul3A_14 : vector<16xi32>
    tpu.vector_store_idx %arg6[%broadcast_in_dim3A_16, %add3A_471], %broadcast_in_dim3A_5 : memref<2x26000xf32, #tpu.memory_space<vmem>>[vector<16xi32>, vector<16xi32>], vector<16xf32>,
    tpu.vector_store_idx %arg6[%broadcast_in_dim3A_16, %add3A_476], %broadcast_in_dim3A_5 : memref<2x26000xf32, #tpu.memory_space<vmem>>[vector<16xi32>, vector<16xi32>], vector<16xf32>,
    %get3A_477 = arith.constant 31 : i32
    %get3A_478 = arith.index_cast %get3A_477 : i32 to index
    %get3A_479 = arith.constant 0 : index
    %get3A_480 = tpu.vector_load %arg4[%get3A_478, %get3A_479] {strides = array<i32>} : memref<32x26xi32, #tpu.memory_space<vmem>>, vector<16xi32>,
    %add3A_481 = arith.addi %get3A_480, %mul3A_8 : vector<16xi32>
    %get3A_482 = arith.constant 31 : i32
    %get3A_483 = arith.index_cast %get3A_482 : i32 to index
    %get3A_484 = arith.constant 10 : index
    %get3A_485 = tpu.vector_load %arg4[%get3A_483, %get3A_484] {strides = array<i32>} : memref<32x26xi32, #tpu.memory_space<vmem>>, vector<16xi32>,
    %add3A_486 = arith.addi %get3A_485, %mul3A_14 : vector<16xi32>
    tpu.vector_store_idx %arg6[%broadcast_in_dim3A_18, %add3A_481], %broadcast_in_dim3A_5 : memref<2x26000xf32, #tpu.memory_space<vmem>>[vector<16xi32>, vector<16xi32>], vector<16xf32>,
    tpu.vector_store_idx %arg6[%broadcast_in_dim3A_18, %add3A_486], %broadcast_in_dim3A_5 : memref<2x26000xf32, #tpu.memory_space<vmem>>[vector<16xi32>, vector<16xi32>], vector<16xf32>,
    %add3A_487 = arith.constant 30 : i32
    %add3A_488 = arith.addi %mul3A_2, %add3A_487 : i32
    %dma_start3A_489 = arith.constant 0 : i32
    %dma_start3A_490 = tpu.memref_slice %arg3[%add3A_488, %dma_start3A_489] : memref<1024x26000xf32, #tpu.memory_space<hbm>> -> memref<2x26000xf32, #tpu.memory_space<hbm>>
    %dma_start3A_491 = arith.constant 0 : i32
    %dma_start3A_492 = tpu.memref_slice %arg3[%add3A_488, %dma_start3A_491] : memref<1024x26000xf32, #tpu.memory_space<hbm>> -> memref<2x26000xf32, #tpu.memory_space<hbm>>
    tpu.enqueue_dma source(%arg6 : memref<2x26000xf32, #tpu.memory_space<vmem>>) target(%dma_start3A_492 : memref<2x26000xf32, #tpu.memory_space<hbm>>) target_semaphore(%arg8 : memref<!tpu.dma_semaphore, #tpu.memory_space<semaphore_mem>>)
    %dma_wait3A_493 = arith.constant 0 : i32
    %dma_wait3A_494 = tpu.memref_slice %arg3[%add3A_458, %dma_wait3A_493] : memref<1024x26000xf32, #tpu.memory_space<hbm>> -> memref<2x26000xf32, #tpu.memory_space<hbm>>
    %dma_wait3A_495 = arith.constant 0 : i32
    %dma_wait3A_496 = tpu.memref_slice %arg3[%add3A_458, %dma_wait3A_495] : memref<1024x26000xf32, #tpu.memory_space<hbm>> -> memref<2x26000xf32, #tpu.memory_space<hbm>>
    tpu.wait_dma2 semaphore(%arg7 : memref<!tpu.dma_semaphore, #tpu.memory_space<semaphore_mem>>) src(%arg5 : memref<2x26000xf32, #tpu.memory_space<vmem>>) dst(%dma_wait3A_496 : memref<2x26000xf32, #tpu.memory_space<hbm>>)
    %dma_wait3A_497 = arith.constant 0 : i32
    %dma_wait3A_498 = tpu.memref_slice %arg3[%add3A_488, %dma_wait3A_497] : memref<1024x26000xf32, #tpu.memory_space<hbm>> -> memref<2x26000xf32, #tpu.memory_space<hbm>>
    %dma_wait3A_499 = arith.constant 0 : i32
    %dma_wait3A_500 = tpu.memref_slice %arg3[%add3A_488, %dma_wait3A_499] : memref<1024x26000xf32, #tpu.memory_space<hbm>> -> memref<2x26000xf32, #tpu.memory_space<hbm>>
    tpu.wait_dma2 semaphore(%arg8 : memref<!tpu.dma_semaphore, #tpu.memory_space<semaphore_mem>>) src(%arg6 : memref<2x26000xf32, #tpu.memory_space<vmem>>) dst(%dma_wait3A_500 : memref<2x26000xf32, #tpu.memory_space<hbm>>)
    return
  }
}

</mosaic_0001>

<sc_bundles>
// kernel: kernel.3.cloned.1.call-start
scs
__scs_entry_jumppad:
0x0: {  	(pc) =	sbr.rel $0x88, $3  }
0x1: {  	(tag) =	ssettag $0x0;
	lr =	simm.s32 $0x1  }
0x2: {  	[smem:$0x3FA0] =	sst lr;
	_ =	strace $0xD0000000  }
0x3: {  	_ = 	snop  }
0x4: {  	_ = 	snop  }
0x5: {  	_ = 	snop  }
0x6: {  	_ = 	snop  }
0x7: {  	_ = 	snop  }
__scs_overlays_trampoline_lowered:
0x8: {  	[smem:$0x3FAF] =	sst s0  }
0x9: {  	[smem:$0x3FB0] =	sst s1  }
0xa: {  	[smem:$0x3FB1] =	sst s2  }
0xb: {  	[smem:$0x3FB2] =	sst s3  }
0xc: {  	[smem:$0x3FB3] =	sst s4  }
0xd: {  	[smem:$0x3FB4] =	sst s5  }
0xe: {  	[smem:$0x3FB5] =	sst s6  }
0xf: {  	[smem:$0x3FB6] =	sst s7  }
0x10: {  	[smem:$0x3FB7] =	sst s8  }
0x11: {  	[smem:$0x3FB8] =	sst s9;
	s0 =	simm.s32 @!p0 $0x0  }
0x12: {  	s1 =	sld [smem:$0x3F9E];
	s0 =	simm.s32 @p0 $0x1  }
0x13: {  	[smem:$0x3FB9] =	sst s0;
	s0 =	simm.s32 @!p1 $0x0  }
0x14: {  	s2 =	sld [smem:$0x3F9D];
	s0 =	simm.s32 @p1 $0x1  }
0x15: {  	[smem:$0x3FBA] =	sst s0;
	s0 =	simm.s32 @!p2 $0x0  }
0x16: {  	s3 =	sld [smem:$0x3FDB];
	s0 =	simm.s32 @p2 $0x1  }
0x17: {  	s4 =	simm.s32 $0x1BF5;
	[smem:$0x3FBC] =	sst s0  }
0x18: {  	s0 =	sld [smem:$0x3F9F];
	_ =	swait.ge [sflag:s4], $0x0  }
0x19: {  	s7 =	sld [smem:$0x3FA0]  }
0x1a: {  	s8 =	sadd.s32 $0xFFFFE003, lr  }
0x1b: {  	s9 =	sadd.s32 $0xFFFFFEF7, lr;
	s5 =	simm.s32 $0xFFFFFFFF;
	p2 =	slt.u32 s8, $0xFFFFF086  }
0x1c: {  	p1 =	slt.u32 s9, $0xF7A;
	s5 =	simm.s32 @!p2 $0x0  }
0x1d: {  	s5 =	simm.s32 @p1 $0x1;
	p0 =	seq.s32 s7, s2  }
0x1e: {  	s7 =	smul.u32 @!p0 $0xF7A, s2;
	p2 =	seq.s32 @!p0 s5, $0x0  }
0x1f: {  	s9 =	smul.u32 $0xF7A, s1;
	s8 =	simm.s32 @!p0 $0x1BF5;
	p2 =	por !p2, p0  }
0x20: {  	[sflag:s8] =	ssyncset.s32 @!p0 $0xFFFFF086;
	s6 =	sadd.s32 @!p0 s3, s7;
	s7 =	simm.s32 @!p0 $0x108  }
0x21: {  	s3 =	sadd.s32 s3, s9;
	s6 =	sadd.s32 @!p0 $0x88, s6;
	s7 =	simm.s32 @p2 $0x1082  }
0x22: {  	[simem:s7], [sflag:s8] =	dma.local @!p0 [hbm:s6], $0xF7A  }
0x23: {  	s9 =	sor.u32 $0xD0000000, s2;
	s6 =	simm.s32 $0x108;
	_ =	swait.ge @!p0 [sflag:s8], $0x0  }
0x24: {  	s3 =	sadd.s32 $0x88, s3;
	s6 =	simm.s32 @!p1 $0x1082;
	[sflag:s4] =	ssyncset.s32 $0xFFFFF086  }
0x25: {  	[simem:s6], [sflag:s4] =	dma.local [hbm:s3], $0xF7A  }
0x26: {  	[smem:$0x3FA0] =	sst s1;
	(tag) =	ssettag s2;
	_ =	strace s9  }
0x27: {  	s1 =	sld [smem:$0x3FB0]  }
0x28: {  	s2 =	sld [smem:$0x3FB1]  }
0x29: {  	s4 =	sld [smem:$0x3FB3]  }
0x2a: {  	p0 =	seq.s32 s5, $0x0;
	s5 =	sld [smem:$0x3FB4]  }
0x2b: {  	s6 =	sld [smem:$0x3FB5]  }
0x2c: {  	s7 =	sld [smem:$0x3FB6]  }
0x2d: {  	s3 =	simm.s32 $0x108;
	s8 =	sld [smem:$0x3FB7]  }
0x2e: {  	s3 =	simm.s32 @!p0 $0x1082;
	s9 =	sld [smem:$0x3FB8]  }
0x2f: {  	lr =	sadd.s32 s0, s3;
	s0 =	sld [smem:$0x3FAF]  }
0x30: {  	s3 =	sld [smem:$0x3FB2]  }
0x31: {  	[smem:$0x3FBB] =	sst s10  }
0x32: {  	s10 =	sld [smem:$0x3FB9];
	_ =	sdelay $0x3  }
0x33: {  	p0 =	seq.s32 s10, $0x1;
	s10 =	sld [smem:$0x3FBB];
	_ =	sdelay $0x3  }
0x34: {  	[smem:$0x3FBB] =	sst s10  }
0x35: {  	s10 =	sld [smem:$0x3FBA];
	_ =	sdelay $0x3  }
0x36: {  	p1 =	seq.s32 s10, $0x1;
	s10 =	sld [smem:$0x3FBB];
	_ =	sdelay $0x3  }
0x37: {  	[smem:$0x3FBB] =	sst s10  }
0x38: {  	s10 =	sld [smem:$0x3FBC]  }
0x39: {  	_ = 	snop;
	(pc) =	sbr.ind lr, $3  }
0x3a: {  	_ = 	snop  }
0x3b: {  	_ = 	snop  }
0x3c: {  	p2 =	seq.s32 s10, $0x1;
	s10 =	sld [smem:$0x3FBB]  }
0x3d: {  	_ =	shalt  }
0x3e: {  	_ =	shalt  }
0x3f: {  	_ =	shalt  }
0x40: {  	_ =	shalt  }
0x41: {  	_ =	shalt  }
0x42: {  	_ =	shalt  }
0x43: {  	_ =	shalt  }
0x44: {  	_ =	shalt  }
0x45: {  	_ =	shalt  }
0x46: {  	_ =	shalt  }
0x47: {  	_ =	shalt  }
0x48: {  	_ =	shalt  }
0x49: {  	_ =	shalt  }
0x4a: {  	_ =	shalt  }
0x4b: {  	_ =	shalt  }
0x4c: {  	_ =	shalt  }
0x4d: {  	_ =	shalt  }
0x4e: {  	_ =	shalt  }
0x4f: {  	_ =	shalt  }
0x50: {  	_ =	shalt  }
0x51: {  	_ =	shalt  }
0x52: {  	_ =	shalt  }
0x53: {  	_ =	shalt  }
0x54: {  	_ =	shalt  }
0x55: {  	_ =	shalt  }
0x56: {  	_ =	shalt  }
0x57: {  	_ =	shalt  }
0x58: {  	_ =	shalt  }
0x59: {  	_ =	shalt  }
0x5a: {  	_ =	shalt  }
0x5b: {  	_ =	shalt  }
0x5c: {  	_ =	shalt  }
0x5d: {  	_ =	shalt  }
0x5e: {  	_ =	shalt  }
0x5f: {  	_ =	shalt  }
0x60: {  	_ =	shalt  }
0x61: {  	_ =	shalt  }
0x62: {  	_ =	shalt  }
0x63: {  	_ =	shalt  }
0x64: {  	_ =	shalt  }
0x65: {  	_ =	shalt  }
0x66: {  	_ =	shalt  }
0x67: {  	_ =	shalt  }
0x68: {  	_ =	shalt  }
0x69: {  	_ =	shalt  }
0x6a: {  	_ =	shalt  }
0x6b: {  	_ =	shalt  }
0x6c: {  	_ =	shalt  }
0x6d: {  	_ =	shalt  }
0x6e: {  	_ =	shalt  }
0x6f: {  	_ =	shalt  }
0x70: {  	_ =	shalt  }
0x71: {  	_ =	shalt  }
0x72: {  	_ =	shalt  }
0x73: {  	_ =	shalt  }
0x74: {  	_ =	shalt  }
0x75: {  	_ =	shalt  }
0x76: {  	_ =	shalt  }
0x77: {  	_ =	shalt  }
0x78: {  	_ =	shalt  }
0x79: {  	_ =	shalt  }
0x7a: {  	_ =	shalt  }
0x7b: {  	_ =	shalt  }
0x7c: {  	_ =	shalt  }
0x7d: {  	_ =	shalt  }
0x7e: {  	_ =	shalt  }
0x7f: {  	_ =	shalt  }
0x80: {  	_ =	shalt  }
0x81: {  	_ =	shalt  }
0x82: {  	_ =	shalt  }
0x83: {  	_ =	shalt  }
0x84: {  	_ =	shalt  }
0x85: {  	_ =	shalt  }
0x86: {  	_ =	shalt  }
0x87: {  	_ =	shalt  }
.Lfunc_end0:
.L_simem_size_0:
called_computation_lowered:
.L_overlay_start_0:
0x88: {  	s2 =	sld [smem:$0x3FD9]  }
0x89: {  	s3 =	sld [smem:$0x3FFE];
	_ =	sdelay $0x1  }
0x8a: {  	s1 =	srdreg.scid  }
0x8b: {  	s0 =	sand.u32 $0x1, s1  }
0x8c: {  	s17 =	sshll.u32 s0, $0xA;
	s2 =	sadd.s32 s3, s2  }
0x8d: {  	s2 =	sadd.s32 s2, s17  }
0x8e: {  	[smem:$0x3FC7] =	sst s2  }
0x8f: {  	_ = 	snop  }
0x90: {  	s2 =	sld [smem:$0x3FD0];
	(tm) =	ssettm $0x1  }
0x91: {  	s18 =	sld [smem:$0x3FFB];
	_ =	sdelay $0x3  }
0x92: {  	_ =	strace s18  }
0x93: {  	s3 =	sld [smem:$0x3FFC];
	_ =	sdelay $0x3  }
0x94: {  	_ =	strace s3  }
0x95: {  	s3 =	sld [smem:$0x3FFD];
	_ =	sdelay $0x3  }
0x96: {  	_ =	strace s3  }
0x97: {  	_ =	strace $0x8FFFFFFF  }
0x98: {  	s19 =	sld [smem:$0x3FDB];
	_ =	sdelay $0x1  }
0x99: {  	s4 =	simm.s32 $_scs_section_size  }
0x9a: {  	s5 =	simm.s32 $_size__tile_overlayer_lowered;
	s6 =	simm.s32 $_tile_overlayer_lowered  }
0x9b: {  	s22 =	simm.s32 $0x1BFF;
	s21 =	sshll.u32 s6, $0x1;
	s3 =	sadd.s32 s4, s19  }
0x9c: {  	s7 =	simm.s32 $0x0;
	s20 =	sshll.u32 s5, $0x1;
	s5 =	sadd.s32 s21, s3  }
0x9d: {  	[timem:s7], [sflag:s22] =	dma.local [hbm:s5], s20  }
0x9e: {  	_ =	swait.ge [sflag:s22], s20  }
0x9f: {  	s4 =	ssub.s32 $0x0, s20;
	[sflag:s22] =	ssyncset.done $0x0  }
0xa0: {  	[sflag:s22] =	ssyncadd.s32 s4;
	_ =	sdelay $0x1  }
0xa1: {  	s23 =	simm.s32 $0x1B8B  }
0xa2: {  	_ =	swait.ge [sflag:s23], $0x1  }
0xa3: {  	[sflag:s23] =	ssyncset.done $0x0  }
0xa4: {  	s25 =	simm.s32 $0x1B8E;
	s24 =	sld [smem:$0x3FFE];
	[sflag:s23] =	ssyncadd.s32 $0xFFFFFFFF  }
0xa5: {  	s26 =	simm.s32 $execute0_lowered;
	[smem:$0x3FD2] =	sst s25  }
0xa6: {  	s5 =	sshll.u32 s26, $0x1;
	_ =	strace $0x80000046;
	[dreg:$0x1] =	wrdreg $0xFFFFFFFF  }
0xa7: {  	s28 =	simm.s32 $_size_execute0_lowered;
	s3 =	sadd.s32 s3, s5;
	[dreg:$0x0] =	wrdreg $0x0  }
0xa8: {  	s5 =	sshll.u32 s28, $0x1;
	[dreg:$0x2] =	wrdreg s3  }
0xa9: {  	[dreg:$0x3] =	wrdreg s5  }
0xaa: {  	[dreg:$0x4] =	wrdreg $0xC0  }
0xab: {  	_ =	task [dreg:s7], $0x5FFFF  }
0xac: {  	[dreg:$0x1] =	wrdreg $0xFFFFFFFF  }
0xad: {  	[dreg:$0x0] =	wrdreg $0x60  }
0xae: {  	[dreg:$0x2] =	wrdreg s2  }
0xaf: {  	[dreg:$0x3] =	wrdreg s24  }
0xb0: {  	[dreg:$0x4] =	wrdreg $0x9  }
0xb1: {  	_ =	task.clear_ibuf [dreg:s7], $0x5FFFF;
	_ =	strace $0x90000046  }
0xb2: {  	s29 =	simm.s32 $0x9;
	_ =	strace $0x80000048  }
0xb3: {  	_ =	swait.ge [sflag:s29], $0x1  }
0xb4: {  	[sflag:s29] =	ssyncadd.s32 $0xFFFFFFFF  }
0xb5: {  	_ =	strace $0x90000048  }
0xb6: {  	_ =	sfence  }
0xb7: {  	s30 =	sld [smem:$0x0];
	_ =	sdelay $0x2  }
0xb8: {  	s31 =	sshll.u32 s1, $0xD;
	s1 =	sshrl.u32 s1, $0x2  }
0xb9: {  	s3 =	sand.u32 $0x4000, s31;
	s1 =	sadd.s32 s1, s30  }
0xba: {  	s0 =	sor.u32 s3, s0;
	s1 =	sshll.u32 s1, $0x11  }
0xbb: {  	s0 =	sor.u32 s1, s0  }
0xbc: {  	s0 =	sadd.s32 $0x8F2B, s0  }
0xbd: {  	[sflag:s0] =	ssyncadd.remote.s32 $0x1  }
0xbe: {  	_ =	sfence.sel $0xFFFF  }
0xbf: {  	[dreg:$0x0] =	wrdreg $0xFFFFFFFF;
	(pc) =	sbr.abs _section_cstart, $3  }
0xc0: {  	[dreg:$0x1] =	wrdreg $0xFFFFFFFF  }
0xc1: {  	_ =	task.clear_ibuf [dreg:s7], $0x2FFFF;
	_ =	strace $0x9FFFFFFF  }
0xc2: {  	(tm) =	ssettm $0x7FFFFFFF  }
0xc3: {  	_ =	shalt  }
tec
execute0_lowered:
.L_overlay_start_1:
0x0: {  	(tag) =	ssettag $0x1  }
0x1: {  	s0 =	srdreg.scid  }
0x2: {  	s1 =	rddreg [dreg:$0x0];
	s3 =	stileid.u32;
	s0 =	sand.u32 $0x1, s0  }
0x3: {  	s2 =	rddreg [dreg:$0x1];
	s3 =	sshll.u32 s3, $0x6;
	s4 =	sshll.u32 s0, $0x5  }
0x4: {  	s5 =	simm.s32 $0x0;
	s28 =	simm.s32 $0x2;
	s3 =	sor.u32 s4, s3  }
0x5: {  	s29 =	simm.s32 $0x0;
	[smem:$0x7FF] =	sst s5;
	s4 =	sshrl.u32 s3, $0x3  }
0x6: {  	s2 =	sadd.s32 $0x400, s2;
	s0 =	ssub.s32 $0x2, s0;
	s17 =	smul.u32 $0x6600, s4  }
0x7: {  	_ =	strace $0x80000047;
	s6 =	sshrl.u32 s0, $0x1;
	s18 =	sshll.u32 s3, $0x4  }
0x8: {  	s4 =	smul.u32 $0x33000, s4;
	s1 =	sadd.s32 s1, s18;
	s3 =	sadd.s32 s2, s17  }
0x9: {  	s0 =	ssub.s32 s0, s6;
	[dreg:$0x3] =	wrdreg s1;
	s19 =	sadd.s32 $0x20, s3  }
0xa: {  	s20 =	sshrl.u32 s4, $0x3;
	s21 =	sadd.s32 $0x40, s3;
	[dreg:$0x4] =	wrdreg s19  }
0xb: {  	s22 =	sadd.s32 $0x60, s3;
	s1 =	sadd.s32 s2, s20;
	[dreg:$0x5] =	wrdreg s21  }
0xc: {  	s20 =	smax.u32 s0, $0x1;
	[dreg:$0x6] =	wrdreg s22;
	s2 =	sadd.s32 $0x6600, s1  }
0xd: {  	s23 =	sadd.s32 $0x6620, s1;
	s24 =	sadd.s32 $0x6640, s1;
	[dreg:$0x7] =	wrdreg s2  }
0xe: {  	s25 =	sadd.s32 $0x6660, s1;
	s26 =	sadd.s32 $0xCC00, s1;
	[dreg:$0x8] =	wrdreg s23  }
0xf: {  	s30 =	sadd.s32 $0xCC20, s1;
	s31 =	sadd.s32 $0xCC40, s1;
	[dreg:$0x9] =	wrdreg s24  }
0x10: {  	s15 =	sadd.s32 $0xCC60, s1;
	s16 =	sadd.s32 $0x13200, s1;
	[dreg:$0xa] =	wrdreg s25  }
0x11: {  	v0 =	vlaneseq.u32;
	s17 =	sadd.s32 $0x13220, s1;
	s18 =	sadd.s32 $0x13240, s1;
	[dreg:$0xb] =	wrdreg s26  }
0x12: {  	v0 =	vmul.u32 $0x3E8, v0;
	s19 =	sadd.s32 $0x13260, s1;
	s21 =	simm.s32 $0x3;
	[dreg:$0xc] =	wrdreg s30  }
0x13: {  	s22 =	simm.s32 $0x1000;
	[dreg:$0xd] =	wrdreg s31;
	s23 =	simm.s32 $0x100  }
0x14: {  	v1 =	vimm.f32 $0.0e+00;
	v3 =	vimm.f32 $1.000000000e+00;
	v2 =	vadd.s32 $0x2710, v0;
	s24 =	simm.s32 $0x400;
	s25 =	simm.s32 $0xDC00;
	s26 =	simm.s32 $0x1  }
.LBB2_1:
0x15: {  	s1 =	simm.s32 $0x0;
	s0 =	rddreg [dreg:$0x3]  }
0x16: {  	[tilespmem:s1], [sflag:$0x3] =	stream.linear.gather [hbm4b:s0+s1], $0x1000, $0x38;
	[tilespmem:$0x1A800] =	vst v63  }
0x17: {  	s6 =	simm.s32 $0x0;
	s2 =	simm.s32 $0x20;
	_ =	swait.ge [sflag:s21], $0x1000  }
0x18: {  	s1 =	sand.u32 $0x70, s1;
	s0 =	sand.u32 $0xFF00, s6;
	[sflag:s21] =	ssyncset.done $0x0  }
0x19: {  	s7 =	simm.s32 $0x10;
	s0 =	sor.u32 s1, s0;
	[sflag:s21] =	ssyncadd.s32 $0xFFFFF000  }
0x1a: {  	s2 =	sand.u32 $0x1FF00, s2;
	s1 =	sand.u32 $0x70, s7;
	[tilespmem:s0+$0x1000] =	vst v1  }
0x1b: {  	s8 =	simm.s32 $0x20;
	s4 =	simm.s32 $0x40;
	s1 =	sor.u32 s1, s2;
	[tilespmem:s0+$0xDC00] =	vst v1  }
0x1c: {  	s4 =	sand.u32 $0x1FF00, s4;
	s2 =	sand.u32 $0x70, s8;
	[tilespmem:s1+$0x1000] =	vst v1  }
0x1d: {  	s9 =	simm.s32 $0x30;
	s5 =	simm.s32 $0x60;
	s2 =	sor.u32 s2, s4;
	[tilespmem:s1+$0xDC00] =	vst v1  }
0x1e: {  	s5 =	sand.u32 $0x1FF00, s5;
	s4 =	sand.u32 $0x70, s9;
	[tilespmem:s2+$0x1000] =	vst v1  }
0x1f: {  	s10 =	simm.s32 $0x40;
	s6 =	simm.s32 $0x80;
	s4 =	sor.u32 s4, s5;
	[tilespmem:s2+$0xDC00] =	vst v1  }
0x20: {  	s6 =	sand.u32 $0x1FF00, s6;
	s5 =	sand.u32 $0x70, s10;
	[tilespmem:s4+$0x1000] =	vst v1  }
0x21: {  	s11 =	simm.s32 $0x50;
	s12 =	simm.s32 $0xA0;
	s7 =	sor.u32 s5, s6;
	[tilespmem:s4+$0xDC00] =	vst v1  }
0x22: {  	s5 =	sand.u32 $0x70, s11;
	s6 =	sand.u32 $0x1FF00, s12;
	[tilespmem:s7+$0x1000] =	vst v1  }
0x23: {  	s13 =	simm.s32 $0x60;
	s14 =	simm.s32 $0xC0;
	s8 =	sor.u32 s5, s6;
	[tilespmem:s7+$0xDC00] =	vst v1  }
0x24: {  	s5 =	sand.u32 $0x70, s13;
	s6 =	sand.u32 $0x1FF00, s14;
	[tilespmem:s8+$0x1000] =	vst v1  }
0x25: {  	s10 =	simm.s32 $0xE0;
	s9 =	sor.u32 s5, s6;
	s6 =	simm.s32 $0x70;
	[tilespmem:s8+$0xDC00] =	vst v1  }
0x26: {  	s5 =	sand.u32 $0x70, s6;
	s6 =	sand.u32 $0x1FF00, s10;
	[tilespmem:s9+$0x1000] =	vst v1  }
0x27: {  	s10 =	sor.u32 s5, s6;
	[tilespmem:s9+$0xDC00] =	vst v1  }
0x28: {  	[tilespmem:s10+$0x1000] =	vst v1  }
0x29: {  	s11 =	simm.s32 $0x90;
	s12 =	simm.s32 $0x120;
	[tilespmem:s10+$0xDC00] =	vst v1  }
0x2a: {  	s5 =	sand.u32 $0x70, s11;
	s6 =	sand.u32 $0x1FF00, s12;
	[tilespmem:s0+$0x1100] =	vst v1  }
0x2b: {  	s13 =	simm.s32 $0xA0;
	s14 =	simm.s32 $0x140;
	s11 =	sor.u32 s5, s6;
	[tilespmem:s0+$0xDD00] =	vst v1  }
0x2c: {  	s5 =	sand.u32 $0x70, s13;
	s6 =	sand.u32 $0x1FF00, s14;
	[tilespmem:s11+$0x1000] =	vst v1  }
0x2d: {  	s13 =	simm.s32 $0x160;
	s12 =	sor.u32 s5, s6;
	s6 =	simm.s32 $0xB0;
	[tilespmem:s11+$0xDC00] =	vst v1  }
0x2e: {  	s5 =	sand.u32 $0x70, s6;
	s6 =	sand.u32 $0x1FF00, s13;
	[tilespmem:s12+$0x1000] =	vst v1  }
0x2f: {  	s14 =	simm.s32 $0xC0;
	s13 =	simm.s32 $0x180;
	s6 =	sor.u32 s5, s6;
	[tilespmem:s12+$0xDC00] =	vst v1  }
0x30: {  	s14 =	sand.u32 $0x70, s14;
	s13 =	sand.u32 $0x1FF00, s13;
	[tilespmem:s6+$0x1000] =	vst v1  }
0x31: {  	s5 =	sor.u32 s14, s13;
	[tilespmem:s6+$0xDC00] =	vst v1  }
0x32: {  	[tilespmem:s5+$0x1000] =	vst v1  }
0x33: {  	[tilespmem:s5+$0xDC00] =	vst v1  }
0x34: {  	[tilespmem:s0+$0x1080] =	vst v1  }
0x35: {  	[tilespmem:s0+$0xDC80] =	vst v1  }
0x36: {  	[tilespmem:s1+$0x1080] =	vst v1  }
0x37: {  	[tilespmem:s1+$0xDC80] =	vst v1  }
0x38: {  	[tilespmem:s2+$0x1080] =	vst v1  }
0x39: {  	[tilespmem:s2+$0xDC80] =	vst v1  }
0x3a: {  	[tilespmem:s4+$0x1080] =	vst v1  }
0x3b: {  	[tilespmem:s4+$0xDC80] =	vst v1  }
0x3c: {  	[tilespmem:s7+$0x1080] =	vst v1  }
0x3d: {  	[tilespmem:s7+$0xDC80] =	vst v1  }
0x3e: {  	[tilespmem:s8+$0x1080] =	vst v1  }
0x3f: {  	[tilespmem:s8+$0xDC80] =	vst v1  }
0x40: {  	[tilespmem:s9+$0x1080] =	vst v1  }
0x41: {  	[tilespmem:s9+$0xDC80] =	vst v1  }
0x42: {  	[tilespmem:s10+$0x1080] =	vst v1  }
0x43: {  	[tilespmem:s10+$0xDC80] =	vst v1  }
0x44: {  	[tilespmem:s0+$0x1180] =	vst v1  }
0x45: {  	[tilespmem:s0+$0xDD80] =	vst v1  }
0x46: {  	[tilespmem:s11+$0x1080] =	vst v1  }
0x47: {  	[tilespmem:s11+$0xDC80] =	vst v1  }
0x48: {  	[tilespmem:s12+$0x1080] =	vst v1  }
0x49: {  	[tilespmem:s12+$0xDC80] =	vst v1  }
0x4a: {  	s30 =	simm.s32 $0x190;
	s31 =	simm.s32 $0x50;
	s4 =	simm.s32 $0x320;
	[tilespmem:s6+$0x1080] =	vst v1  }
.LBB2_2:
0x4b: {  	s0 =	sadd.s32 $0xFFFFFE80, s4  }
0x4c: {  	s7 =	sadd.s32 $0xFFFFFEA0, s4;
	[tilespmem:s6+$0xDC80] =	vst v1;
	s2 =	smov.u32 s4;
	s1 =	sadd.s32 $0x1A0, s4  }
0x4d: {  	s6 =	sand.u32 $0x70, s31;
	s0 =	sand.u32 $0xFF00, s0;
	s7 =	sand.u32 $0x1FF00, s7;
	[tilespmem:s5+$0x1080] =	vst v1  }
0x4e: {  	p0 =	sne.s32 s4, $0xCB00;
	s0 =	sor.u32 s6, s0;
	s6 =	sadd.s32 $0xFFFFFF50, s30;
	[tilespmem:s5+$0xDC80] =	vst v1  }
0x4f: {  	[tilespmem:s0+$0x1000] =	vst v1;
	s4 =	sand.u32 $0x70, s6  }
0x50: {  	s5 =	sadd.s32 $0xFFFFFF60, s30;
	s6 =	sadd.s32 $0xFFFFFEC0, s2;
	[tilespmem:s0+$0xDC00] =	vst v1;
	s4 =	sor.u32 s4, s7  }
0x51: {  	s5 =	sand.u32 $0x70, s5;
	s6 =	sand.u32 $0x1FF00, s6;
	[tilespmem:s4+$0x1000] =	vst v1  }
0x52: {  	s7 =	sor.u32 s5, s6;
	s5 =	sadd.s32 $0xFFFFFF70, s30;
	s6 =	sadd.s32 $0xFFFFFEE0, s2;
	[tilespmem:s4+$0xDC00] =	vst v1  }
0x53: {  	s5 =	sand.u32 $0x70, s5;
	s6 =	sand.u32 $0x1FF00, s6;
	[tilespmem:s7+$0x1000] =	vst v1  }
0x54: {  	s8 =	sor.u32 s5, s6;
	s5 =	sadd.s32 $0xFFFFFF80, s30;
	s6 =	sadd.s32 $0xFFFFFF00, s2;
	[tilespmem:s7+$0xDC00] =	vst v1  }
0x55: {  	s5 =	sand.u32 $0x70, s5;
	s6 =	sand.u32 $0x1FF00, s6;
	[tilespmem:s8+$0x1000] =	vst v1  }
0x56: {  	s9 =	sor.u32 s5, s6;
	s5 =	sadd.s32 $0xFFFFFF90, s30;
	s6 =	sadd.s32 $0xFFFFFF20, s2;
	[tilespmem:s8+$0xDC00] =	vst v1  }
0x57: {  	s5 =	sand.u32 $0x70, s5;
	s6 =	sand.u32 $0x1FF00, s6;
	[tilespmem:s9+$0x1000] =	vst v1  }
0x58: {  	s10 =	sor.u32 s5, s6;
	s5 =	sadd.s32 $0xFFFFFFA0, s30;
	s6 =	sadd.s32 $0xFFFFFF40, s2;
	[tilespmem:s9+$0xDC00] =	vst v1  }
0x59: {  	s5 =	sand.u32 $0x70, s5;
	s6 =	sand.u32 $0x1FF00, s6;
	[tilespmem:s10+$0x1000] =	vst v1  }
0x5a: {  	s11 =	sor.u32 s5, s6;
	s5 =	sadd.s32 $0xFFFFFFB0, s30;
	s6 =	sadd.s32 $0xFFFFFF60, s2;
	[tilespmem:s10+$0xDC00] =	vst v1  }
0x5b: {  	s5 =	sand.u32 $0x70, s5;
	s6 =	sand.u32 $0x1FF00, s6;
	[tilespmem:s11+$0x1000] =	vst v1  }
0x5c: {  	s12 =	sor.u32 s5, s6;
	[tilespmem:s11+$0xDC00] =	vst v1  }
0x5d: {  	[tilespmem:s12+$0x1000] =	vst v1  }
0x5e: {  	s5 =	sadd.s32 $0xFFFFFFD0, s30;
	s6 =	sadd.s32 $0xFFFFFFA0, s2;
	[tilespmem:s12+$0xDC00] =	vst v1  }
0x5f: {  	s5 =	sand.u32 $0x70, s5;
	s6 =	sand.u32 $0x1FF00, s6;
	[tilespmem:s0+$0x1100] =	vst v1  }
0x60: {  	s13 =	sor.u32 s5, s6;
	s5 =	sadd.s32 $0xFFFFFFE0, s30;
	s6 =	sadd.s32 $0xFFFFFFC0, s2;
	[tilespmem:s0+$0xDD00] =	vst v1  }
0x61: {  	s5 =	sand.u32 $0x70, s5;
	s6 =	sand.u32 $0x1FF00, s6;
	[tilespmem:s13+$0x1000] =	vst v1  }
0x62: {  	s14 =	sor.u32 s5, s6;
	s5 =	sadd.s32 $0xFFFFFFF0, s30;
	s6 =	sadd.s32 $0xFFFFFFE0, s2;
	[tilespmem:s13+$0xDC00] =	vst v1  }
0x63: {  	s5 =	sand.u32 $0x70, s5;
	s6 =	sand.u32 $0x1FF00, s6;
	[tilespmem:s14+$0x1000] =	vst v1  }
0x64: {  	s6 =	sor.u32 s5, s6;
	[tilespmem:s14+$0xDC00] =	vst v1  }
0x65: {  	s2 =	sand.u32 $0x1FF00, s2;
	s5 =	sand.u32 $0x70, s30;
	[tilespmem:s6+$0x1000] =	vst v1  }
0x66: {  	s5 =	sor.u32 s5, s2;
	[tilespmem:s6+$0xDC00] =	vst v1  }
0x67: {  	[tilespmem:s5+$0x1000] =	vst v1  }
0x68: {  	[tilespmem:s5+$0xDC00] =	vst v1  }
0x69: {  	[tilespmem:s0+$0x1080] =	vst v1  }
0x6a: {  	[tilespmem:s0+$0xDC80] =	vst v1  }
0x6b: {  	[tilespmem:s4+$0x1080] =	vst v1  }
0x6c: {  	[tilespmem:s4+$0xDC80] =	vst v1  }
0x6d: {  	[tilespmem:s7+$0x1080] =	vst v1  }
0x6e: {  	[tilespmem:s7+$0xDC80] =	vst v1  }
0x6f: {  	[tilespmem:s8+$0x1080] =	vst v1  }
0x70: {  	[tilespmem:s8+$0xDC80] =	vst v1  }
0x71: {  	[tilespmem:s9+$0x1080] =	vst v1  }
0x72: {  	[tilespmem:s9+$0xDC80] =	vst v1  }
0x73: {  	[tilespmem:s10+$0x1080] =	vst v1  }
0x74: {  	[tilespmem:s10+$0xDC80] =	vst v1  }
0x75: {  	[tilespmem:s11+$0x1080] =	vst v1  }
0x76: {  	[tilespmem:s11+$0xDC80] =	vst v1  }
0x77: {  	[tilespmem:s12+$0x1080] =	vst v1  }
0x78: {  	[tilespmem:s12+$0xDC80] =	vst v1  }
0x79: {  	[tilespmem:s0+$0x1180] =	vst v1  }
0x7a: {  	[tilespmem:s0+$0xDD80] =	vst v1  }
.Ltmp0:
0x7b: {  	[tilespmem:s13+$0x1080] =	vst v1;
	(pc) =	sbr.rel @p0 .LBB2_2-.Ltmp0, $4  }
0x7c: {  	[tilespmem:s13+$0xDC80] =	vst v1  }
0x7d: {  	[tilespmem:s14+$0x1080] =	vst v1  }
0x7e: {  	[tilespmem:s14+$0xDC80] =	vst v1  }
0x7f: {  	s31 =	sadd.s32 $0x50, s31;
	s30 =	sadd.s32 $0xD0, s30;
	s4 =	smov.u32 s1;
	[tilespmem:s6+$0x1080] =	vst v1  }
0x80: {  	[tilespmem:s6+$0xDC80] =	vst v1  }
0x81: {  	[tilespmem:s5+$0x1080] =	vst v1  }
0x82: {  	[tilespmem:s5+$0xDC80] =	vst v1  }
0x83: {  	v4 =	vld [tilespmem:$0x0]  }
0x84: {  	v5 =	vld [tilespmem:$0xA];
	_ =	sdelay $0x3  }
0x85: {  	v4 =	vadd.s32 v0, v4  }
0x86: {  	v5 =	vadd.s32 v2, v5;
	v6 =	vshll.u32 v4, $0x1  }
0x87: {  	v4 =	vand.u32 $0x7F, v4;
	v7 =	vshll.u32 v5, $0x1;
	v6 =	vand.u32 $0xFFFFFF00, v6  }
0x88: {  	v5 =	vand.u32 $0x7F, v5;
	v46 =	vand.u32 $0xFFFFFF00, v7;
	v4 =	vor.u32 v4, v6  }
0x89: {  	v5 =	vor.u32 v5, v46;
	_ =	sdelay $0x3  }
0x8a: {  	[tilespmem:v4+s22+$0x0] =	vst.idx.msk $0xffff, v3  }
0x8b: {  	[tilespmem:v5+s22+$0x0] =	vst.idx.msk $0xffff, v3  }
0x8c: {  	v47 =	vld [tilespmem:$0x80]  }
0x8d: {  	v48 =	vld [tilespmem:$0x8A];
	_ =	sdelay $0x3  }
0x8e: {  	v6 =	vadd.s32 v0, v47  }
0x8f: {  	v7 =	vadd.s32 v2, v48;
	v8 =	vshll.u32 v6, $0x1  }
0x90: {  	v6 =	vand.u32 $0x7F, v6;
	v9 =	vshll.u32 v7, $0x1;
	v8 =	vand.u32 $0xFFFFFF00, v8  }
0x91: {  	v7 =	vand.u32 $0x7F, v7;
	v49 =	vand.u32 $0xFFFFFF00, v9;
	v6 =	vor.u32 v8, v6  }
0x92: {  	v7 =	vor.u32 v49, v7;
	v6 =	vor.u32 $0x80, v6  }
0x93: {  	v7 =	vor.u32 $0x80, v7;
	_ =	sdelay $0x3  }
0x94: {  	[tilespmem:v6+s22+$0x0] =	vst.idx.msk $0xffff, v3  }
0x95: {  	[tilespmem:v7+s22+$0x0] =	vst.idx.msk $0xffff, v3  }
0x96: {  	[hbm4b:s3+s23] =	stream.strided.scatter [tilespmem:s22], [sflag:$0x1], $0xCC00, s24, s23, $0x38;
	[tilespmem:$0x1A800] =	vst v63  }
0x97: {  	v50 =	vld [tilespmem:$0x100]  }
0x98: {  	v51 =	vld [tilespmem:$0x10A];
	_ =	sdelay $0x3  }
0x99: {  	v8 =	vadd.s32 v0, v50  }
0x9a: {  	v9 =	vadd.s32 v2, v51;
	v10 =	vshll.u32 v8, $0x1  }
0x9b: {  	v8 =	vand.u32 $0x7F, v8;
	v11 =	vshll.u32 v9, $0x1;
	v10 =	vand.u32 $0xFFFFFF00, v10  }
0x9c: {  	v9 =	vand.u32 $0x7F, v9;
	v52 =	vand.u32 $0xFFFFFF00, v11;
	v8 =	vor.u32 v8, v10  }
0x9d: {  	v9 =	vor.u32 v9, v52;
	_ =	sdelay $0x3  }
0x9e: {  	[tilespmem:v8+s25+$0x0] =	vst.idx.msk $0xffff, v3  }
0x9f: {  	[tilespmem:v9+s25+$0x0] =	vst.idx.msk $0xffff, v3  }
0xa0: {  	v53 =	vld [tilespmem:$0x180]  }
0xa1: {  	v54 =	vld [tilespmem:$0x18A];
	_ =	sdelay $0x3  }
0xa2: {  	v10 =	vadd.s32 v0, v53  }
0xa3: {  	v11 =	vadd.s32 v2, v54;
	v12 =	vshll.u32 v10, $0x1  }
0xa4: {  	v10 =	vand.u32 $0x7F, v10;
	v13 =	vshll.u32 v11, $0x1;
	v12 =	vand.u32 $0xFFFFFF00, v12  }
0xa5: {  	v11 =	vand.u32 $0x7F, v11;
	v55 =	vand.u32 $0xFFFFFF00, v13;
	v10 =	vor.u32 v12, v10  }
0xa6: {  	v11 =	vor.u32 v55, v11;
	v10 =	vor.u32 $0x80, v10  }
0xa7: {  	v11 =	vor.u32 $0x80, v11;
	_ =	sdelay $0x3  }
0xa8: {  	[tilespmem:v10+s25+$0x0] =	vst.idx.msk $0xffff, v3  }
0xa9: {  	s0 =	rddreg [dreg:$0x4];
	[tilespmem:v11+s25+$0x0] =	vst.idx.msk $0xffff, v3  }
0xaa: {  	[hbm4b:s0+s23] =	stream.strided.scatter [tilespmem:s25], [sflag:$0x2], $0xCC00, s24, s23, $0x38;
	[tilespmem:$0x1A800] =	vst v63  }
0xab: {  	_ =	swait.ge [sflag:s26], $0xCC00  }
0xac: {  	[sflag:s26] =	ssyncset.done $0x0  }
0xad: {  	[sflag:s26] =	ssyncadd.s32 $0xFFFF3400  }
0xae: {  	[tilespmem:v4+s22+$0x0] =	vst.idx.msk $0xffff, v1  }
0xaf: {  	[tilespmem:v5+s22+$0x0] =	vst.idx.msk $0xffff, v1  }
0xb0: {  	[tilespmem:v6+s22+$0x0] =	vst.idx.msk $0xffff, v1  }
0xb1: {  	[tilespmem:v7+s22+$0x0] =	vst.idx.msk $0xffff, v1  }
0xb2: {  	v4 =	vld [tilespmem:$0x200]  }
0xb3: {  	v5 =	vld [tilespmem:$0x20A];
	_ =	sdelay $0x3  }
0xb4: {  	v4 =	vadd.s32 v0, v4  }
0xb5: {  	v5 =	vadd.s32 v2, v5;
	v56 =	vshll.u32 v4, $0x1  }
0xb6: {  	v4 =	vand.u32 $0x7F, v4;
	v57 =	vshll.u32 v5, $0x1;
	v6 =	vand.u32 $0xFFFFFF00, v56  }
0xb7: {  	v5 =	vand.u32 $0x7F, v5;
	v58 =	vand.u32 $0xFFFFFF00, v57;
	v4 =	vor.u32 v4, v6  }
0xb8: {  	v5 =	vor.u32 v5, v58;
	_ =	sdelay $0x3  }
0xb9: {  	[tilespmem:v4+s22+$0x0] =	vst.idx.msk $0xffff, v3  }
0xba: {  	[tilespmem:v5+s22+$0x0] =	vst.idx.msk $0xffff, v3  }
0xbb: {  	v59 =	vld [tilespmem:$0x280]  }
0xbc: {  	v60 =	vld [tilespmem:$0x28A];
	_ =	sdelay $0x3  }
0xbd: {  	v6 =	vadd.s32 v0, v59  }
0xbe: {  	v7 =	vadd.s32 v2, v60;
	v61 =	vshll.u32 v6, $0x1  }
0xbf: {  	v6 =	vand.u32 $0x7F, v6;
	v62 =	vshll.u32 v7, $0x1;
	v12 =	vand.u32 $0xFFFFFF00, v61  }
0xc0: {  	v7 =	vand.u32 $0x7F, v7;
	v63 =	vand.u32 $0xFFFFFF00, v62;
	v6 =	vor.u32 v12, v6  }
0xc1: {  	v7 =	vor.u32 v63, v7;
	v6 =	vor.u32 $0x80, v6  }
0xc2: {  	v7 =	vor.u32 $0x80, v7;
	_ =	sdelay $0x3  }
0xc3: {  	[tilespmem:v6+s22+$0x0] =	vst.idx.msk $0xffff, v3  }
0xc4: {  	s8 =	rddreg [dreg:$0x5];
	[tilespmem:v7+s22+$0x0] =	vst.idx.msk $0xffff, v3  }
0xc5: {  	[hbm4b:s8+s23] =	stream.strided.scatter [tilespmem:s22], [sflag:$0x1], $0xCC00, s24, s23, $0x38;
	[tilespmem:$0x1A800] =	vst v63  }
0xc6: {  	_ =	swait.ge [sflag:s28], $0xCC00  }
0xc7: {  	[sflag:s28] =	ssyncset.done $0x0  }
0xc8: {  	[sflag:s28] =	ssyncadd.s32 $0xFFFF3400  }
0xc9: {  	[tilespmem:v8+s25+$0x0] =	vst.idx.msk $0xffff, v1  }
0xca: {  	[tilespmem:v9+s25+$0x0] =	vst.idx.msk $0xffff, v1  }
0xcb: {  	[tilespmem:v10+s25+$0x0] =	vst.idx.msk $0xffff, v1  }
0xcc: {  	[tilespmem:v11+s25+$0x0] =	vst.idx.msk $0xffff, v1  }
0xcd: {  	v8 =	vld [tilespmem:$0x300]  }
0xce: {  	v9 =	vld [tilespmem:$0x30A];
	_ =	sdelay $0x3  }
0xcf: {  	v8 =	vadd.s32 v0, v8  }
0xd0: {  	v9 =	vadd.s32 v2, v9;
	v16 =	vshll.u32 v8, $0x1  }
0xd1: {  	v8 =	vand.u32 $0x7F, v8;
	v17 =	vshll.u32 v9, $0x1;
	v10 =	vand.u32 $0xFFFFFF00, v16  }
0xd2: {  	v9 =	vand.u32 $0x7F, v9;
	v18 =	vand.u32 $0xFFFFFF00, v17;
	v8 =	vor.u32 v8, v10  }
0xd3: {  	v9 =	vor.u32 v9, v18;
	_ =	sdelay $0x3  }
0xd4: {  	[tilespmem:v8+s25+$0x0] =	vst.idx.msk $0xffff, v3  }
0xd5: {  	[tilespmem:v9+s25+$0x0] =	vst.idx.msk $0xffff, v3  }
0xd6: {  	v19 =	vld [tilespmem:$0x380]  }
0xd7: {  	v20 =	vld [tilespmem:$0x38A];
	_ =	sdelay $0x3  }
0xd8: {  	v10 =	vadd.s32 v0, v19  }
0xd9: {  	v11 =	vadd.s32 v2, v20;
	v21 =	vshll.u32 v10, $0x1  }
0xda: {  	v10 =	vand.u32 $0x7F, v10;
	v22 =	vshll.u32 v11, $0x1;
	v12 =	vand.u32 $0xFFFFFF00, v21  }
0xdb: {  	v11 =	vand.u32 $0x7F, v11;
	v23 =	vand.u32 $0xFFFFFF00, v22;
	v10 =	vor.u32 v12, v10  }
0xdc: {  	v11 =	vor.u32 v23, v11;
	v10 =	vor.u32 $0x80, v10  }
0xdd: {  	v11 =	vor.u32 $0x80, v11;
	_ =	sdelay $0x3  }
0xde: {  	[tilespmem:v10+s25+$0x0] =	vst.idx.msk $0xffff, v3  }
0xdf: {  	s9 =	rddreg [dreg:$0x6];
	[tilespmem:v11+s25+$0x0] =	vst.idx.msk $0xffff, v3  }
0xe0: {  	[hbm4b:s9+s23] =	stream.strided.scatter [tilespmem:s25], [sflag:$0x2], $0xCC00, s24, s23, $0x38;
	[tilespmem:$0x1A800] =	vst v63  }
0xe1: {  	_ =	swait.ge [sflag:s26], $0xCC00  }
0xe2: {  	[sflag:s26] =	ssyncset.done $0x0  }
0xe3: {  	[sflag:s26] =	ssyncadd.s32 $0xFFFF3400  }
0xe4: {  	[tilespmem:v4+s22+$0x0] =	vst.idx.msk $0xffff, v1  }
0xe5: {  	[tilespmem:v5+s22+$0x0] =	vst.idx.msk $0xffff, v1  }
0xe6: {  	[tilespmem:v6+s22+$0x0] =	vst.idx.msk $0xffff, v1  }
0xe7: {  	[tilespmem:v7+s22+$0x0] =	vst.idx.msk $0xffff, v1  }
0xe8: {  	v4 =	vld [tilespmem:$0x400]  }
0xe9: {  	v5 =	vld [tilespmem:$0x40A];
	_ =	sdelay $0x3  }
0xea: {  	v4 =	vadd.s32 v0, v4  }
0xeb: {  	v5 =	vadd.s32 v2, v5;
	v24 =	vshll.u32 v4, $0x1  }
0xec: {  	v4 =	vand.u32 $0x7F, v4;
	v25 =	vshll.u32 v5, $0x1;
	v6 =	vand.u32 $0xFFFFFF00, v24  }
0xed: {  	v5 =	vand.u32 $0x7F, v5;
	v26 =	vand.u32 $0xFFFFFF00, v25;
	v4 =	vor.u32 v4, v6  }
0xee: {  	v5 =	vor.u32 v5, v26;
	_ =	sdelay $0x3  }
0xef: {  	[tilespmem:v4+s22+$0x0] =	vst.idx.msk $0xffff, v3  }
0xf0: {  	[tilespmem:v5+s22+$0x0] =	vst.idx.msk $0xffff, v3  }
0xf1: {  	v27 =	vld [tilespmem:$0x480]  }
0xf2: {  	v28 =	vld [tilespmem:$0x48A];
	_ =	sdelay $0x3  }
0xf3: {  	v6 =	vadd.s32 v0, v27  }
0xf4: {  	v7 =	vadd.s32 v2, v28;
	v29 =	vshll.u32 v6, $0x1  }
0xf5: {  	v6 =	vand.u32 $0x7F, v6;
	v30 =	vshll.u32 v7, $0x1;
	v12 =	vand.u32 $0xFFFFFF00, v29  }
0xf6: {  	v7 =	vand.u32 $0x7F, v7;
	v31 =	vand.u32 $0xFFFFFF00, v30;
	v6 =	vor.u32 v12, v6  }
0xf7: {  	v7 =	vor.u32 v31, v7;
	v6 =	vor.u32 $0x80, v6  }
0xf8: {  	v7 =	vor.u32 $0x80, v7;
	_ =	sdelay $0x3  }
0xf9: {  	[tilespmem:v6+s22+$0x0] =	vst.idx.msk $0xffff, v3  }
0xfa: {  	s10 =	rddreg [dreg:$0x7];
	[tilespmem:v7+s22+$0x0] =	vst.idx.msk $0xffff, v3  }
0xfb: {  	[hbm4b:s10+s23] =	stream.strided.scatter [tilespmem:s22], [sflag:$0x1], $0xCC00, s24, s23, $0x38;
	[tilespmem:$0x1A800] =	vst v63  }
0xfc: {  	_ =	swait.ge [sflag:s28], $0xCC00  }
0xfd: {  	[sflag:s28] =	ssyncset.done $0x0  }
0xfe: {  	[sflag:s28] =	ssyncadd.s32 $0xFFFF3400  }
0xff: {  	[tilespmem:v8+s25+$0x0] =	vst.idx.msk $0xffff, v1  }
0x100: {  	[tilespmem:v9+s25+$0x0] =	vst.idx.msk $0xffff, v1  }
0x101: {  	[tilespmem:v10+s25+$0x0] =	vst.idx.msk $0xffff, v1  }
0x102: {  	[tilespmem:v11+s25+$0x0] =	vst.idx.msk $0xffff, v1  }
0x103: {  	v8 =	vld [tilespmem:$0x500]  }
0x104: {  	v9 =	vld [tilespmem:$0x50A];
	_ =	sdelay $0x3  }
0x105: {  	v8 =	vadd.s32 v0, v8  }
0x106: {  	v9 =	vadd.s32 v2, v9;
	v32 =	vshll.u32 v8, $0x1  }
0x107: {  	v8 =	vand.u32 $0x7F, v8;
	v33 =	vshll.u32 v9, $0x1;
	v10 =	vand.u32 $0xFFFFFF00, v32  }
0x108: {  	v9 =	vand.u32 $0x7F, v9;
	v34 =	vand.u32 $0xFFFFFF00, v33;
	v8 =	vor.u32 v8, v10  }
0x109: {  	v9 =	vor.u32 v9, v34;
	_ =	sdelay $0x3  }
0x10a: {  	[tilespmem:v8+s25+$0x0] =	vst.idx.msk $0xffff, v3  }
0x10b: {  	[tilespmem:v9+s25+$0x0] =	vst.idx.msk $0xffff, v3  }
0x10c: {  	v35 =	vld [tilespmem:$0x580]  }
0x10d: {  	v36 =	vld [tilespmem:$0x58A];
	_ =	sdelay $0x3  }
0x10e: {  	v10 =	vadd.s32 v0, v35  }
0x10f: {  	v11 =	vadd.s32 v2, v36;
	v37 =	vshll.u32 v10, $0x1  }
0x110: {  	v10 =	vand.u32 $0x7F, v10;
	v38 =	vshll.u32 v11, $0x1;
	v12 =	vand.u32 $0xFFFFFF00, v37  }
0x111: {  	v11 =	vand.u32 $0x7F, v11;
	v39 =	vand.u32 $0xFFFFFF00, v38;
	v10 =	vor.u32 v12, v10  }
0x112: {  	v11 =	vor.u32 v39, v11;
	v10 =	vor.u32 $0x80, v10  }
0x113: {  	v11 =	vor.u32 $0x80, v11;
	_ =	sdelay $0x3  }
0x114: {  	[tilespmem:v10+s25+$0x0] =	vst.idx.msk $0xffff, v3  }
0x115: {  	s11 =	rddreg [dreg:$0x8];
	[tilespmem:v11+s25+$0x0] =	vst.idx.msk $0xffff, v3  }
0x116: {  	[hbm4b:s11+s23] =	stream.strided.scatter [tilespmem:s25], [sflag:$0x2], $0xCC00, s24, s23, $0x38;
	[tilespmem:$0x1A800] =	vst v63  }
0x117: {  	_ =	swait.ge [sflag:s26], $0xCC00  }
0x118: {  	[sflag:s26] =	ssyncset.done $0x0  }
0x119: {  	[sflag:s26] =	ssyncadd.s32 $0xFFFF3400  }
0x11a: {  	[tilespmem:v4+s22+$0x0] =	vst.idx.msk $0xffff, v1  }
0x11b: {  	[tilespmem:v5+s22+$0x0] =	vst.idx.msk $0xffff, v1  }
0x11c: {  	[tilespmem:v6+s22+$0x0] =	vst.idx.msk $0xffff, v1  }
0x11d: {  	[tilespmem:v7+s22+$0x0] =	vst.idx.msk $0xffff, v1  }
0x11e: {  	v4 =	vld [tilespmem:$0x600]  }
0x11f: {  	v5 =	vld [tilespmem:$0x60A];
	_ =	sdelay $0x3  }
0x120: {  	v4 =	vadd.s32 v0, v4  }
0x121: {  	v5 =	vadd.s32 v2, v5;
	v40 =	vshll.u32 v4, $0x1  }
0x122: {  	v4 =	vand.u32 $0x7F, v4;
	v41 =	vshll.u32 v5, $0x1;
	v6 =	vand.u32 $0xFFFFFF00, v40  }
0x123: {  	v5 =	vand.u32 $0x7F, v5;
	v42 =	vand.u32 $0xFFFFFF00, v41;
	v4 =	vor.u32 v4, v6  }
0x124: {  	v5 =	vor.u32 v5, v42;
	_ =	sdelay $0x3  }
0x125: {  	[tilespmem:v4+s22+$0x0] =	vst.idx.msk $0xffff, v3  }
0x126: {  	[tilespmem:v5+s22+$0x0] =	vst.idx.msk $0xffff, v3  }
0x127: {  	v43 =	vld [tilespmem:$0x680]  }
0x128: {  	v44 =	vld [tilespmem:$0x68A];
	_ =	sdelay $0x3  }
0x129: {  	v6 =	vadd.s32 v0, v43  }
0x12a: {  	v7 =	vadd.s32 v2, v44;
	v45 =	vshll.u32 v6, $0x1  }
0x12b: {  	v6 =	vand.u32 $0x7F, v6;
	v46 =	vshll.u32 v7, $0x1;
	v12 =	vand.u32 $0xFFFFFF00, v45  }
0x12c: {  	v7 =	vand.u32 $0x7F, v7;
	v47 =	vand.u32 $0xFFFFFF00, v46;
	v6 =	vor.u32 v12, v6  }
0x12d: {  	v7 =	vor.u32 v47, v7;
	v6 =	vor.u32 $0x80, v6  }
0x12e: {  	v7 =	vor.u32 $0x80, v7;
	_ =	sdelay $0x3  }
0x12f: {  	[tilespmem:v6+s22+$0x0] =	vst.idx.msk $0xffff, v3  }
0x130: {  	s12 =	rddreg [dreg:$0x9];
	[tilespmem:v7+s22+$0x0] =	vst.idx.msk $0xffff, v3  }
0x131: {  	[hbm4b:s12+s23] =	stream.strided.scatter [tilespmem:s22], [sflag:$0x1], $0xCC00, s24, s23, $0x38;
	[tilespmem:$0x1A800] =	vst v63  }
0x132: {  	_ =	swait.ge [sflag:s28], $0xCC00  }
0x133: {  	[sflag:s28] =	ssyncset.done $0x0  }
0x134: {  	[sflag:s28] =	ssyncadd.s32 $0xFFFF3400  }
0x135: {  	[tilespmem:v8+s25+$0x0] =	vst.idx.msk $0xffff, v1  }
0x136: {  	[tilespmem:v9+s25+$0x0] =	vst.idx.msk $0xffff, v1  }
0x137: {  	[tilespmem:v10+s25+$0x0] =	vst.idx.msk $0xffff, v1  }
0x138: {  	[tilespmem:v11+s25+$0x0] =	vst.idx.msk $0xffff, v1  }
0x139: {  	v8 =	vld [tilespmem:$0x700]  }
0x13a: {  	v9 =	vld [tilespmem:$0x70A];
	_ =	sdelay $0x3  }
0x13b: {  	v8 =	vadd.s32 v0, v8  }
0x13c: {  	v9 =	vadd.s32 v2, v9;
	v48 =	vshll.u32 v8, $0x1  }
0x13d: {  	v8 =	vand.u32 $0x7F, v8;
	v49 =	vshll.u32 v9, $0x1;
	v10 =	vand.u32 $0xFFFFFF00, v48  }
0x13e: {  	v9 =	vand.u32 $0x7F, v9;
	v50 =	vand.u32 $0xFFFFFF00, v49;
	v8 =	vor.u32 v8, v10  }
0x13f: {  	v9 =	vor.u32 v9, v50;
	_ =	sdelay $0x3  }
0x140: {  	[tilespmem:v8+s25+$0x0] =	vst.idx.msk $0xffff, v3  }
0x141: {  	[tilespmem:v9+s25+$0x0] =	vst.idx.msk $0xffff, v3  }
0x142: {  	v51 =	vld [tilespmem:$0x780]  }
0x143: {  	v52 =	vld [tilespmem:$0x78A];
	_ =	sdelay $0x3  }
0x144: {  	v10 =	vadd.s32 v0, v51  }
0x145: {  	v11 =	vadd.s32 v2, v52;
	v53 =	vshll.u32 v10, $0x1  }
0x146: {  	v10 =	vand.u32 $0x7F, v10;
	v54 =	vshll.u32 v11, $0x1;
	v12 =	vand.u32 $0xFFFFFF00, v53  }
0x147: {  	v11 =	vand.u32 $0x7F, v11;
	v55 =	vand.u32 $0xFFFFFF00, v54;
	v10 =	vor.u32 v12, v10  }
0x148: {  	v11 =	vor.u32 v55, v11;
	v10 =	vor.u32 $0x80, v10  }
0x149: {  	v11 =	vor.u32 $0x80, v11;
	_ =	sdelay $0x3  }
0x14a: {  	[tilespmem:v10+s25+$0x0] =	vst.idx.msk $0xffff, v3  }
0x14b: {  	s13 =	rddreg [dreg:$0xa];
	[tilespmem:v11+s25+$0x0] =	vst.idx.msk $0xffff, v3  }
0x14c: {  	[hbm4b:s13+s23] =	stream.strided.scatter [tilespmem:s25], [sflag:$0x2], $0xCC00, s24, s23, $0x38;
	[tilespmem:$0x1A800] =	vst v63  }
0x14d: {  	_ =	swait.ge [sflag:s26], $0xCC00  }
0x14e: {  	[sflag:s26] =	ssyncset.done $0x0  }
0x14f: {  	[sflag:s26] =	ssyncadd.s32 $0xFFFF3400  }
0x150: {  	[tilespmem:v4+s22+$0x0] =	vst.idx.msk $0xffff, v1  }
0x151: {  	[tilespmem:v5+s22+$0x0] =	vst.idx.msk $0xffff, v1  }
0x152: {  	[tilespmem:v6+s22+$0x0] =	vst.idx.msk $0xffff, v1  }
0x153: {  	[tilespmem:v7+s22+$0x0] =	vst.idx.msk $0xffff, v1  }
0x154: {  	v4 =	vld [tilespmem:$0x800]  }
0x155: {  	v5 =	vld [tilespmem:$0x80A];
	_ =	sdelay $0x3  }
0x156: {  	v4 =	vadd.s32 v0, v4  }
0x157: {  	v5 =	vadd.s32 v2, v5;
	v56 =	vshll.u32 v4, $0x1  }
0x158: {  	v4 =	vand.u32 $0x7F, v4;
	v57 =	vshll.u32 v5, $0x1;
	v6 =	vand.u32 $0xFFFFFF00, v56  }
0x159: {  	v5 =	vand.u32 $0x7F, v5;
	v58 =	vand.u32 $0xFFFFFF00, v57;
	v4 =	vor.u32 v4, v6  }
0x15a: {  	v5 =	vor.u32 v5, v58;
	_ =	sdelay $0x3  }
0x15b: {  	[tilespmem:v4+s22+$0x0] =	vst.idx.msk $0xffff, v3  }
0x15c: {  	[tilespmem:v5+s22+$0x0] =	vst.idx.msk $0xffff, v3  }
0x15d: {  	v59 =	vld [tilespmem:$0x880]  }
0x15e: {  	v60 =	vld [tilespmem:$0x88A];
	_ =	sdelay $0x3  }
0x15f: {  	v6 =	vadd.s32 v0, v59  }
0x160: {  	v7 =	vadd.s32 v2, v60;
	v61 =	vshll.u32 v6, $0x1  }
0x161: {  	v6 =	vand.u32 $0x7F, v6;
	v62 =	vshll.u32 v7, $0x1;
	v12 =	vand.u32 $0xFFFFFF00, v61  }
0x162: {  	v7 =	vand.u32 $0x7F, v7;
	v63 =	vand.u32 $0xFFFFFF00, v62;
	v6 =	vor.u32 v12, v6  }
0x163: {  	v7 =	vor.u32 v63, v7;
	v6 =	vor.u32 $0x80, v6  }
0x164: {  	v7 =	vor.u32 $0x80, v7;
	_ =	sdelay $0x3  }
0x165: {  	[tilespmem:v6+s22+$0x0] =	vst.idx.msk $0xffff, v3  }
0x166: {  	s14 =	rddreg [dreg:$0xb];
	[tilespmem:v7+s22+$0x0] =	vst.idx.msk $0xffff, v3  }
0x167: {  	[hbm4b:s14+s23] =	stream.strided.scatter [tilespmem:s22], [sflag:$0x1], $0xCC00, s24, s23, $0x38;
	[tilespmem:$0x1A800] =	vst v63  }
0x168: {  	_ =	swait.ge [sflag:s28], $0xCC00  }
0x169: {  	[sflag:s28] =	ssyncset.done $0x0  }
0x16a: {  	[sflag:s28] =	ssyncadd.s32 $0xFFFF3400  }
0x16b: {  	[tilespmem:v8+s25+$0x0] =	vst.idx.msk $0xffff, v1  }
0x16c: {  	[tilespmem:v9+s25+$0x0] =	vst.idx.msk $0xffff, v1  }
0x16d: {  	[tilespmem:v10+s25+$0x0] =	vst.idx.msk $0xffff, v1  }
0x16e: {  	[tilespmem:v11+s25+$0x0] =	vst.idx.msk $0xffff, v1  }
0x16f: {  	v8 =	vld [tilespmem:$0x900]  }
0x170: {  	v9 =	vld [tilespmem:$0x90A];
	_ =	sdelay $0x3  }
0x171: {  	v8 =	vadd.s32 v0, v8  }
0x172: {  	v9 =	vadd.s32 v2, v9;
	v12 =	vshll.u32 v8, $0x1  }
0x173: {  	v8 =	vand.u32 $0x7F, v8;
	v13 =	vshll.u32 v9, $0x1;
	v10 =	vand.u32 $0xFFFFFF00, v12  }
0x174: {  	v9 =	vand.u32 $0x7F, v9;
	v14 =	vand.u32 $0xFFFFFF00, v13;
	v8 =	vor.u32 v8, v10  }
0x175: {  	v9 =	vor.u32 v9, v14;
	_ =	sdelay $0x3  }
0x176: {  	[tilespmem:v8+s25+$0x0] =	vst.idx.msk $0xffff, v3  }
0x177: {  	[tilespmem:v9+s25+$0x0] =	vst.idx.msk $0xffff, v3  }
0x178: {  	v15 =	vld [tilespmem:$0x980]  }
0x179: {  	v16 =	vld [tilespmem:$0x98A];
	_ =	sdelay $0x3  }
0x17a: {  	v10 =	vadd.s32 v0, v15  }
0x17b: {  	v11 =	vadd.s32 v2, v16;
	v17 =	vshll.u32 v10, $0x1  }
0x17c: {  	v10 =	vand.u32 $0x7F, v10;
	v18 =	vshll.u32 v11, $0x1;
	v12 =	vand.u32 $0xFFFFFF00, v17  }
0x17d: {  	v11 =	vand.u32 $0x7F, v11;
	v19 =	vand.u32 $0xFFFFFF00, v18;
	v10 =	vor.u32 v12, v10  }
0x17e: {  	v11 =	vor.u32 v19, v11;
	v10 =	vor.u32 $0x80, v10  }
0x17f: {  	v11 =	vor.u32 $0x80, v11;
	_ =	sdelay $0x3  }
0x180: {  	[tilespmem:v10+s25+$0x0] =	vst.idx.msk $0xffff, v3  }
0x181: {  	s30 =	rddreg [dreg:$0xc];
	[tilespmem:v11+s25+$0x0] =	vst.idx.msk $0xffff, v3  }
0x182: {  	[hbm4b:s30+s23] =	stream.strided.scatter [tilespmem:s25], [sflag:$0x2], $0xCC00, s24, s23, $0x38;
	[tilespmem:$0x1A800] =	vst v63  }
0x183: {  	_ =	swait.ge [sflag:s26], $0xCC00  }
0x184: {  	[sflag:s26] =	ssyncset.done $0x0  }
0x185: {  	[sflag:s26] =	ssyncadd.s32 $0xFFFF3400  }
0x186: {  	[tilespmem:v4+s22+$0x0] =	vst.idx.msk $0xffff, v1  }
0x187: {  	[tilespmem:v5+s22+$0x0] =	vst.idx.msk $0xffff, v1  }
0x188: {  	[tilespmem:v6+s22+$0x0] =	vst.idx.msk $0xffff, v1  }
0x189: {  	[tilespmem:v7+s22+$0x0] =	vst.idx.msk $0xffff, v1  }
0x18a: {  	v4 =	vld [tilespmem:$0xA00]  }
0x18b: {  	v5 =	vld [tilespmem:$0xA0A];
	_ =	sdelay $0x3  }
0x18c: {  	v4 =	vadd.s32 v0, v4  }
0x18d: {  	v5 =	vadd.s32 v2, v5;
	v20 =	vshll.u32 v4, $0x1  }
0x18e: {  	v4 =	vand.u32 $0x7F, v4;
	v21 =	vshll.u32 v5, $0x1;
	v6 =	vand.u32 $0xFFFFFF00, v20  }
0x18f: {  	v5 =	vand.u32 $0x7F, v5;
	v22 =	vand.u32 $0xFFFFFF00, v21;
	v4 =	vor.u32 v4, v6  }
0x190: {  	v5 =	vor.u32 v5, v22;
	_ =	sdelay $0x3  }
0x191: {  	[tilespmem:v4+s22+$0x0] =	vst.idx.msk $0xffff, v3  }
0x192: {  	[tilespmem:v5+s22+$0x0] =	vst.idx.msk $0xffff, v3  }
0x193: {  	v23 =	vld [tilespmem:$0xA80]  }
0x194: {  	v24 =	vld [tilespmem:$0xA8A];
	_ =	sdelay $0x3  }
0x195: {  	v6 =	vadd.s32 v0, v23  }
0x196: {  	v7 =	vadd.s32 v2, v24;
	v25 =	vshll.u32 v6, $0x1  }
0x197: {  	v6 =	vand.u32 $0x7F, v6;
	v26 =	vshll.u32 v7, $0x1;
	v12 =	vand.u32 $0xFFFFFF00, v25  }
0x198: {  	v7 =	vand.u32 $0x7F, v7;
	v27 =	vand.u32 $0xFFFFFF00, v26;
	v6 =	vor.u32 v12, v6  }
0x199: {  	v7 =	vor.u32 v27, v7;
	v6 =	vor.u32 $0x80, v6  }
0x19a: {  	v7 =	vor.u32 $0x80, v7;
	_ =	sdelay $0x3  }
0x19b: {  	[tilespmem:v6+s22+$0x0] =	vst.idx.msk $0xffff, v3  }
0x19c: {  	s31 =	rddreg [dreg:$0xd];
	[tilespmem:v7+s22+$0x0] =	vst.idx.msk $0xffff, v3  }
0x19d: {  	[hbm4b:s31+s23] =	stream.strided.scatter [tilespmem:s22], [sflag:$0x1], $0xCC00, s24, s23, $0x38;
	[tilespmem:$0x1A800] =	vst v63  }
0x19e: {  	_ =	swait.ge [sflag:s28], $0xCC00  }
0x19f: {  	[sflag:s28] =	ssyncset.done $0x0  }
0x1a0: {  	[sflag:s28] =	ssyncadd.s32 $0xFFFF3400  }
0x1a1: {  	[tilespmem:v8+s25+$0x0] =	vst.idx.msk $0xffff, v1  }
0x1a2: {  	[tilespmem:v9+s25+$0x0] =	vst.idx.msk $0xffff, v1  }
0x1a3: {  	[tilespmem:v10+s25+$0x0] =	vst.idx.msk $0xffff, v1  }
0x1a4: {  	[tilespmem:v11+s25+$0x0] =	vst.idx.msk $0xffff, v1  }
0x1a5: {  	v8 =	vld [tilespmem:$0xB00]  }
0x1a6: {  	v9 =	vld [tilespmem:$0xB0A];
	_ =	sdelay $0x3  }
0x1a7: {  	v8 =	vadd.s32 v0, v8  }
0x1a8: {  	v9 =	vadd.s32 v2, v9;
	v28 =	vshll.u32 v8, $0x1  }
0x1a9: {  	v8 =	vand.u32 $0x7F, v8;
	v29 =	vshll.u32 v9, $0x1;
	v10 =	vand.u32 $0xFFFFFF00, v28  }
0x1aa: {  	v9 =	vand.u32 $0x7F, v9;
	v30 =	vand.u32 $0xFFFFFF00, v29;
	v8 =	vor.u32 v8, v10  }
0x1ab: {  	v9 =	vor.u32 v9, v30;
	_ =	sdelay $0x3  }
0x1ac: {  	[tilespmem:v8+s25+$0x0] =	vst.idx.msk $0xffff, v3  }
0x1ad: {  	[tilespmem:v9+s25+$0x0] =	vst.idx.msk $0xffff, v3  }
0x1ae: {  	v31 =	vld [tilespmem:$0xB80]  }
0x1af: {  	v32 =	vld [tilespmem:$0xB8A];
	_ =	sdelay $0x3  }
0x1b0: {  	v10 =	vadd.s32 v0, v31  }
0x1b1: {  	v11 =	vadd.s32 v2, v32;
	v33 =	vshll.u32 v10, $0x1  }
0x1b2: {  	v10 =	vand.u32 $0x7F, v10;
	v34 =	vshll.u32 v11, $0x1;
	v12 =	vand.u32 $0xFFFFFF00, v33  }
0x1b3: {  	v11 =	vand.u32 $0x7F, v11;
	v35 =	vand.u32 $0xFFFFFF00, v34;
	v10 =	vor.u32 v12, v10  }
0x1b4: {  	v11 =	vor.u32 v35, v11;
	v10 =	vor.u32 $0x80, v10  }
0x1b5: {  	v11 =	vor.u32 $0x80, v11;
	_ =	sdelay $0x3  }
0x1b6: {  	[tilespmem:v10+s25+$0x0] =	vst.idx.msk $0xffff, v3  }
0x1b7: {  	[tilespmem:v11+s25+$0x0] =	vst.idx.msk $0xffff, v3  }
0x1b8: {  	[hbm4b:s15+s23] =	stream.strided.scatter [tilespmem:s25], [sflag:$0x2], $0xCC00, s24, s23, $0x38;
	[tilespmem:$0x1A800] =	vst v63  }
0x1b9: {  	_ =	swait.ge [sflag:s26], $0xCC00  }
0x1ba: {  	[sflag:s26] =	ssyncset.done $0x0  }
0x1bb: {  	[sflag:s26] =	ssyncadd.s32 $0xFFFF3400  }
0x1bc: {  	[tilespmem:v4+s22+$0x0] =	vst.idx.msk $0xffff, v1  }
0x1bd: {  	[tilespmem:v5+s22+$0x0] =	vst.idx.msk $0xffff, v1  }
0x1be: {  	[tilespmem:v6+s22+$0x0] =	vst.idx.msk $0xffff, v1  }
0x1bf: {  	[tilespmem:v7+s22+$0x0] =	vst.idx.msk $0xffff, v1  }
0x1c0: {  	v4 =	vld [tilespmem:$0xC00]  }
0x1c1: {  	v5 =	vld [tilespmem:$0xC0A];
	_ =	sdelay $0x3  }
0x1c2: {  	v4 =	vadd.s32 v0, v4  }
0x1c3: {  	v5 =	vadd.s32 v2, v5;
	v36 =	vshll.u32 v4, $0x1  }
0x1c4: {  	v4 =	vand.u32 $0x7F, v4;
	v37 =	vshll.u32 v5, $0x1;
	v6 =	vand.u32 $0xFFFFFF00, v36  }
0x1c5: {  	v5 =	vand.u32 $0x7F, v5;
	v38 =	vand.u32 $0xFFFFFF00, v37;
	v4 =	vor.u32 v4, v6  }
0x1c6: {  	v5 =	vor.u32 v5, v38;
	_ =	sdelay $0x3  }
0x1c7: {  	[tilespmem:v4+s22+$0x0] =	vst.idx.msk $0xffff, v3  }
0x1c8: {  	[tilespmem:v5+s22+$0x0] =	vst.idx.msk $0xffff, v3  }
0x1c9: {  	v39 =	vld [tilespmem:$0xC80]  }
0x1ca: {  	v40 =	vld [tilespmem:$0xC8A];
	_ =	sdelay $0x3  }
0x1cb: {  	v6 =	vadd.s32 v0, v39  }
0x1cc: {  	v7 =	vadd.s32 v2, v40;
	v41 =	vshll.u32 v6, $0x1  }
0x1cd: {  	v6 =	vand.u32 $0x7F, v6;
	v42 =	vshll.u32 v7, $0x1;
	v12 =	vand.u32 $0xFFFFFF00, v41  }
0x1ce: {  	v7 =	vand.u32 $0x7F, v7;
	v43 =	vand.u32 $0xFFFFFF00, v42;
	v6 =	vor.u32 v12, v6  }
0x1cf: {  	v7 =	vor.u32 v43, v7;
	v6 =	vor.u32 $0x80, v6  }
0x1d0: {  	v7 =	vor.u32 $0x80, v7;
	_ =	sdelay $0x3  }
0x1d1: {  	[tilespmem:v6+s22+$0x0] =	vst.idx.msk $0xffff, v3  }
0x1d2: {  	[tilespmem:v7+s22+$0x0] =	vst.idx.msk $0xffff, v3  }
0x1d3: {  	[hbm4b:s16+s23] =	stream.strided.scatter [tilespmem:s22], [sflag:$0x1], $0xCC00, s24, s23, $0x38;
	[tilespmem:$0x1A800] =	vst v63  }
0x1d4: {  	_ =	swait.ge [sflag:s28], $0xCC00  }
0x1d5: {  	[sflag:s28] =	ssyncset.done $0x0  }
0x1d6: {  	[sflag:s28] =	ssyncadd.s32 $0xFFFF3400  }
0x1d7: {  	[tilespmem:v8+s25+$0x0] =	vst.idx.msk $0xffff, v1  }
0x1d8: {  	[tilespmem:v9+s25+$0x0] =	vst.idx.msk $0xffff, v1  }
0x1d9: {  	[tilespmem:v10+s25+$0x0] =	vst.idx.msk $0xffff, v1  }
0x1da: {  	[tilespmem:v11+s25+$0x0] =	vst.idx.msk $0xffff, v1  }
0x1db: {  	v8 =	vld [tilespmem:$0xD00]  }
0x1dc: {  	v9 =	vld [tilespmem:$0xD0A];
	_ =	sdelay $0x3  }
0x1dd: {  	v8 =	vadd.s32 v0, v8  }
0x1de: {  	v9 =	vadd.s32 v2, v9;
	v44 =	vshll.u32 v8, $0x1  }
0x1df: {  	v8 =	vand.u32 $0x7F, v8;
	v45 =	vshll.u32 v9, $0x1;
	v10 =	vand.u32 $0xFFFFFF00, v44  }
0x1e0: {  	v9 =	vand.u32 $0x7F, v9;
	v46 =	vand.u32 $0xFFFFFF00, v45;
	v8 =	vor.u32 v8, v10  }
0x1e1: {  	v9 =	vor.u32 v9, v46;
	_ =	sdelay $0x3  }
0x1e2: {  	[tilespmem:v8+s25+$0x0] =	vst.idx.msk $0xffff, v3  }
0x1e3: {  	[tilespmem:v9+s25+$0x0] =	vst.idx.msk $0xffff, v3  }
0x1e4: {  	v47 =	vld [tilespmem:$0xD80]  }
0x1e5: {  	v48 =	vld [tilespmem:$0xD8A];
	_ =	sdelay $0x3  }
0x1e6: {  	v10 =	vadd.s32 v0, v47  }
0x1e7: {  	v11 =	vadd.s32 v2, v48;
	v49 =	vshll.u32 v10, $0x1  }
0x1e8: {  	v10 =	vand.u32 $0x7F, v10;
	v50 =	vshll.u32 v11, $0x1;
	v12 =	vand.u32 $0xFFFFFF00, v49  }
0x1e9: {  	v11 =	vand.u32 $0x7F, v11;
	v51 =	vand.u32 $0xFFFFFF00, v50;
	v10 =	vor.u32 v12, v10  }
0x1ea: {  	v11 =	vor.u32 v51, v11;
	v10 =	vor.u32 $0x80, v10  }
0x1eb: {  	v11 =	vor.u32 $0x80, v11;
	_ =	sdelay $0x3  }
0x1ec: {  	[tilespmem:v10+s25+$0x0] =	vst.idx.msk $0xffff, v3  }
0x1ed: {  	[tilespmem:v11+s25+$0x0] =	vst.idx.msk $0xffff, v3  }
0x1ee: {  	[hbm4b:s17+s23] =	stream.strided.scatter [tilespmem:s25], [sflag:$0x2], $0xCC00, s24, s23, $0x38;
	[tilespmem:$0x1A800] =	vst v63  }
0x1ef: {  	_ =	swait.ge [sflag:s26], $0xCC00  }
0x1f0: {  	[sflag:s26] =	ssyncset.done $0x0  }
0x1f1: {  	[sflag:s26] =	ssyncadd.s32 $0xFFFF3400  }
0x1f2: {  	[tilespmem:v4+s22+$0x0] =	vst.idx.msk $0xffff, v1  }
0x1f3: {  	[tilespmem:v5+s22+$0x0] =	vst.idx.msk $0xffff, v1  }
0x1f4: {  	[tilespmem:v6+s22+$0x0] =	vst.idx.msk $0xffff, v1  }
0x1f5: {  	[tilespmem:v7+s22+$0x0] =	vst.idx.msk $0xffff, v1  }
0x1f6: {  	v4 =	vld [tilespmem:$0xE00]  }
0x1f7: {  	v5 =	vld [tilespmem:$0xE0A];
	_ =	sdelay $0x3  }
0x1f8: {  	v4 =	vadd.s32 v0, v4  }
0x1f9: {  	v5 =	vadd.s32 v2, v5;
	v52 =	vshll.u32 v4, $0x1  }
0x1fa: {  	v4 =	vand.u32 $0x7F, v4;
	v53 =	vshll.u32 v5, $0x1;
	v6 =	vand.u32 $0xFFFFFF00, v52  }
0x1fb: {  	v5 =	vand.u32 $0x7F, v5;
	v54 =	vand.u32 $0xFFFFFF00, v53;
	v4 =	vor.u32 v4, v6  }
0x1fc: {  	v5 =	vor.u32 v5, v54;
	_ =	sdelay $0x3  }
0x1fd: {  	[tilespmem:v4+s22+$0x0] =	vst.idx.msk $0xffff, v3  }
0x1fe: {  	[tilespmem:v5+s22+$0x0] =	vst.idx.msk $0xffff, v3  }
0x1ff: {  	v4 =	vld [tilespmem:$0xE80]  }
0x200: {  	v5 =	vld [tilespmem:$0xE8A];
	_ =	sdelay $0x3  }
0x201: {  	v4 =	vadd.s32 v0, v4  }
0x202: {  	v5 =	vadd.s32 v2, v5;
	v55 =	vshll.u32 v4, $0x1  }
0x203: {  	v4 =	vand.u32 $0x7F, v4;
	v56 =	vshll.u32 v5, $0x1;
	v6 =	vand.u32 $0xFFFFFF00, v55  }
0x204: {  	v5 =	vand.u32 $0x7F, v5;
	v57 =	vand.u32 $0xFFFFFF00, v56;
	v4 =	vor.u32 v6, v4  }
0x205: {  	v5 =	vor.u32 v57, v5;
	v4 =	vor.u32 $0x80, v4  }
0x206: {  	v5 =	vor.u32 $0x80, v5;
	_ =	sdelay $0x3  }
0x207: {  	[tilespmem:v4+s22+$0x0] =	vst.idx.msk $0xffff, v3  }
0x208: {  	[tilespmem:v5+s22+$0x0] =	vst.idx.msk $0xffff, v3  }
0x209: {  	[hbm4b:s18+s23] =	stream.strided.scatter [tilespmem:s22], [sflag:$0x1], $0xCC00, s24, s23, $0x38;
	[tilespmem:$0x1A800] =	vst v63  }
0x20a: {  	_ =	swait.ge [sflag:s28], $0xCC00  }
0x20b: {  	[sflag:s28] =	ssyncset.done $0x0  }
0x20c: {  	[sflag:s28] =	ssyncadd.s32 $0xFFFF3400  }
0x20d: {  	[tilespmem:v8+s25+$0x0] =	vst.idx.msk $0xffff, v1  }
0x20e: {  	[tilespmem:v9+s25+$0x0] =	vst.idx.msk $0xffff, v1  }
0x20f: {  	[tilespmem:v10+s25+$0x0] =	vst.idx.msk $0xffff, v1  }
0x210: {  	[tilespmem:v11+s25+$0x0] =	vst.idx.msk $0xffff, v1  }
0x211: {  	v4 =	vld [tilespmem:$0xF00]  }
0x212: {  	v5 =	vld [tilespmem:$0xF0A];
	_ =	sdelay $0x3  }
0x213: {  	v4 =	vadd.s32 v0, v4  }
0x214: {  	v5 =	vadd.s32 v2, v5;
	v58 =	vshll.u32 v4, $0x1  }
0x215: {  	v4 =	vand.u32 $0x7F, v4;
	v59 =	vshll.u32 v5, $0x1;
	v6 =	vand.u32 $0xFFFFFF00, v58  }
0x216: {  	v5 =	vand.u32 $0x7F, v5;
	v60 =	vand.u32 $0xFFFFFF00, v59;
	v4 =	vor.u32 v4, v6  }
0x217: {  	v5 =	vor.u32 v5, v60;
	_ =	sdelay $0x3  }
0x218: {  	[tilespmem:v4+s25+$0x0] =	vst.idx.msk $0xffff, v3  }
0x219: {  	[tilespmem:v5+s25+$0x0] =	vst.idx.msk $0xffff, v3  }
0x21a: {  	v4 =	vld [tilespmem:$0xF80]  }
0x21b: {  	v5 =	vld [tilespmem:$0xF8A];
	_ =	sdelay $0x3  }
0x21c: {  	v4 =	vadd.s32 v0, v4  }
0x21d: {  	v5 =	vadd.s32 v2, v5;
	v61 =	vshll.u32 v4, $0x1  }
0x21e: {  	v4 =	vand.u32 $0x7F, v4;
	v62 =	vshll.u32 v5, $0x1;
	v6 =	vand.u32 $0xFFFFFF00, v61  }
0x21f: {  	v5 =	vand.u32 $0x7F, v5;
	v63 =	vand.u32 $0xFFFFFF00, v62;
	v4 =	vor.u32 v6, v4  }
0x220: {  	v5 =	vor.u32 v63, v5;
	v4 =	vor.u32 $0x80, v4  }
0x221: {  	v5 =	vor.u32 $0x80, v5;
	_ =	sdelay $0x3  }
0x222: {  	[tilespmem:v4+s25+$0x0] =	vst.idx.msk $0xffff, v3  }
0x223: {  	s29 =	sadd.s32 $0x1, s29;
	[tilespmem:v5+s25+$0x0] =	vst.idx.msk $0xffff, v3  }
0x224: {  	[hbm4b:s19+s23] =	stream.strided.scatter [tilespmem:s25], [sflag:$0x2], $0xCC00, s24, s23, $0x38;
	[tilespmem:$0x1A800] =	vst v63  }
0x225: {  	p0 =	sne.s32 s29, s20;
	_ =	swait.ge [sflag:s26], $0xCC00  }
.Ltmp1:
0x226: {  	[sflag:s26] =	ssyncset.done $0x0;
	(pc) =	sbr.rel @p0 .LBB2_1-.Ltmp1, $4  }
0x227: {  	[sflag:s26] =	ssyncadd.s32 $0xFFFF3400  }
0x228: {  	_ =	swait.ge [sflag:s28], $0xCC00  }
0x229: {  	[sflag:s28] =	ssyncset.done $0x0  }
0x22a: {  	[sflag:s28] =	ssyncadd.s32 $0xFFFF3400  }
0x22b: {  	_ =	sfence.sel $0x180000  }
0x22c: {  	[bflag:$0x0] =	sbarrier.arrive $0xFFFF  }
0x22d: {  	_ =	strace $0x90000047  }
0x22e: {  	s0 =	stileid.u32;
	[bflag:$0x2] =	sbarrier.arrive $0xFFFF  }
0x22f: {  	p0 =	sne.s32 s0, $0x0;
	s0 =	rddreg [dreg:$0x2]  }
0x230: {  	s0 =	sadd.s32 @!p0 $0x100000, s0  }
0x231: {  	[sflag:s0] =	ssyncadd.tile.s32 @!p0 $0x1;
	_ =	shalt  }
.Lfunc_end2:
_tile_overlayer_lowered:
.L_overlay_start_2:
0x232: {  	(tag) =	ssettag $0x2  }
0x233: {  	s0 =	rddreg [dreg:$0x0];
	s2 =	stileid.u32  }
0x234: {  	s1 =	rddreg [dreg:$0x1];
	p0 =	sne.s32 s2, $0x0  }
0x235: {  	s3 =	rddreg [dreg:$0x2];
	[bflag:$0x3] =	sbarrier.arrive $0xFFFF;
	s2 =	simm.s32 @!p0 $0x1C03  }
0x236: {  	[timem:s3], [sflag:s2] =	dma.local @!p0 [hbm:s0], s1  }
0x237: {  	s0 =	simm.s32 @!p0 $0x3  }
0x238: {  	_ =	swait.ge @!p0 [sflag:s0], s1  }
0x239: {  	s1 =	ssub.s32 @!p0 $0x0, s1;
	[sflag:s0] =	ssyncset.done @!p0 $0x0  }
0x23a: {  	[sflag:s0] =	ssyncadd.s32 @!p0 s1  }
0x23b: {  	[bflag:$0x3] =	sbarrier.arrive $0xFFFF  }
0x23c: {  	_ =	shalt  }

</sc_bundles>
